<compile_context>
chip_gen: v7x
topology: tpu7x:2x2x1
jax: 0.10.2.dev20260603
libtpu: 0.0.44.dev20260713+nightly
codegen_flags: <defaults>
</compile_context>

<pallas_src>
import jax
import jax.numpy as jnp
from jax import lax
from jax.experimental import pallas as pl
from jax.experimental.pallas import tpu as pltpu
from jax.experimental.pallas import tpu_sc as plsc

_R = 64
_A = 16
_S = 4096
_L = 16
_NW = 32

_S_SC = 1024
_S_TC = _S - _S_SC
_SPW = _S_SC // _NW
_NG = _SPW // _L


def _fls_sc_body(x_hbm, frb_hbm, c1_hbm, out_hbm, x_v, frb_v, c1_v, w_v,
                 out_v, num_v, den_v):
    cid = lax.axis_index("c")
    sid = lax.axis_index("s")
    wid = sid * 2 + cid
    base = wid * _SPW

    pltpu.sync_copy(x_hbm.at[wid], x_v)
    pltpu.sync_copy(frb_hbm, frb_v)
    pltpu.sync_copy(c1_hbm, c1_v.at[pl.ds(0, _R)])

    @plsc.parallel_loop(0, _R * _A // _L)
    def _pre(i):
        sig = frb_v[pl.ds(i * _L, _L)]
        w_v[pl.ds(i * _L, _L)] = -0.5 / (sig * sig)

    zeros = jnp.zeros((_L,), jnp.float32)

    @plsc.parallel_loop(0, _NG)
    def _zero(g):
        num_v[pl.ds(g * _L, _L)] = zeros
        den_v[pl.ds(g * _L, _L)] = zeros

    def _rule(r, carry):
        roff = r * _A
        wv = w_v[pl.ds(roff, _L)]
        cv = frb_v[pl.ds(roff + 1, _L)]
        ws = [wv[a] for a in range(_A)]
        cs = [cv[a] for a in range(_A)]
        c1r = c1_v[pl.ds(r, _L)][0]

        @plsc.parallel_loop(0, _NG, unroll=min(2, _NG))
        def _grp(g):
            q = zeros
            for a in range(_A):
                d = x_v[pl.ds(a * _SPW + g * _L, _L)] - cs[a]
                q = q + (ws[a] * d) * d
            uu = jnp.exp(q)
            num_v[pl.ds(g * _L, _L)] += c1r * uu
            den_v[pl.ds(g * _L, _L)] += uu

        return carry

    lax.fori_loop(0, _R, _rule, 0, unroll=1)

    for g in range(_NG):
        out_v[pl.ds(g * _L, _L)] = (
            num_v[pl.ds(g * _L, _L)] / den_v[pl.ds(g * _L, _L)])

    pltpu.sync_copy(out_v, out_hbm.at[pl.ds(base, _SPW)])


def _fls_tc_body(x_ref, sig_ref, c_ref, c1_ref, o_ref):
    x = x_ref[...]
    sig = sig_ref[...]
    c = c_ref[...]
    c1 = c1_ref[...]
    w = -0.5 / (sig * sig)
    g = (-2.0 * w) * c
    k = jnp.sum((w * c) * c, axis=1)
    bmat = jnp.concatenate([w, g], axis=1)
    amat = jnp.concatenate([x * x, x], axis=1)
    q = jax.lax.dot_general(
        amat, bmat, (((1,), (1,)), ((), ())),
        preferred_element_type=jnp.float32)
    uu = jnp.exp(q + k[None, :])
    num = jnp.sum(uu * c1, axis=1, keepdims=True)
    den = jnp.sum(uu, axis=1, keepdims=True)
    o_ref[...] = num / den


@jax.jit
def kernel(input_data, FRB_weights, c1):
    sig2d = lax.slice(FRB_weights, (0,), (_R * _A,)).reshape(_R, _A)
    c2d = lax.slice(FRB_weights, (1,), (_R * _A + 1,)).reshape(_R, _A)

    x_t = (input_data[_S_TC:].reshape(_NW, _SPW, _A)
           .transpose(0, 2, 1).reshape(_NW, _A * _SPW))
    run_sc = pl.kernel(
        _fls_sc_body,
        out_type=jax.ShapeDtypeStruct((_S_SC,), jnp.float32),
        mesh=plsc.VectorSubcoreMesh(core_axis_name="c", subcore_axis_name="s"),
        scratch_types=[
            pltpu.VMEM((_A * _SPW,), jnp.float32),
            pltpu.VMEM((2 * _R * _A,), jnp.float32),
            pltpu.VMEM((_R + _L,), jnp.float32),
            pltpu.VMEM((_R * _A,), jnp.float32),
            pltpu.VMEM((_SPW,), jnp.float32),
            pltpu.VMEM((_SPW,), jnp.float32),
            pltpu.VMEM((_SPW,), jnp.float32),
        ],
    )
    out_sc = run_sc(x_t, FRB_weights, c1)

    out_tc = pl.pallas_call(
        _fls_tc_body,
        out_shape=jax.ShapeDtypeStruct((_S_TC, 1), jnp.float32),
    )(input_data[:_S_TC], sig2d, c2d, c1.reshape(1, _R))

    return jnp.concatenate([out_tc.reshape(_S_TC), out_sc])

# --- scband reference (transcript-rebuilt; emitter-appended) ---
"""Pipeline reference for scband-single-t1-fls-mamdani-66709432041518 (READ-ONLY COPY).

The authoritative reference and input builder live on the scoring server;
editing this copy changes nothing except your own understanding.
"""

import jax, jax.numpy as jnp
import numpy as np

R = 64   # FuzzyRuleNum
A = 16   # FuzzyAntecedentsNum
S = 4096 # samples


def setup_inputs(seed: int = 0) -> dict:
    key = jax.random.key(seed)
    k1, k2, k3 = jax.random.split(key, 3)
    # forward input
    input_data = jax.random.normal(k1, (S, A), dtype=jnp.float32) * 0.2
    # learned parameters, sized per __init__ (all MFs take the else/Gauss1 branch -> 2 params each)
    # abs(normal) as in _initialize_weight; +0.5 offset keeps sigmas away from 0 for numerical stability
    FRB_weights = jnp.abs(jax.random.normal(k2, (2 * R * A,), dtype=jnp.float32)) + 0.5
    c1 = jnp.abs(jax.random.normal(k3, (R,), dtype=jnp.float32))
    return {"input_data": input_data, "FRB_weights": FRB_weights, "c1": c1}


def reference(input_data, FRB_weights, c1):
    # Faithful vectorization of the per-sample / per-rule / per-antecedent loops.
    # Original: locat_num = A*i + k; Gauss1mf uses FRB_weights[locat_num : locat_num+2]
    # (note the overlapping stride-1 indexing, reproduced exactly here)
    loc = jnp.arange(R * A)                       # locat_num for every (rule i, antecedent k)
    sigma = jnp.take(FRB_weights, loc).reshape(R, A)      # FRB_weights[locat_num]
    c = jnp.take(FRB_weights, loc + 1).reshape(R, A)      # FRB_weights[locat_num + 1]
    x = input_data[:, None, :]                    # [S, 1, A]
    # Gauss1mf(x, [sigma, c]) = exp(-(x - c)^2 / (2 sigma^2))
    u = jnp.exp(-0.5 * ((x - c[None, :, :]) / sigma[None, :, :]) ** 2)  # [S, R, A]
    UU = jnp.prod(u, axis=-1)                     # [S, R]  (uu product over antecedents)
    # Output[sample] = sum(UU * c1 / sum(UU))  -- scatter into the Output buffer, vectorized
    denom = jnp.sum(UU, axis=1, keepdims=True)    # [S, 1]
    Output = jnp.sum(UU * c1[None, :] / denom, axis=1)  # [S]
    return Output


if False:  # reference __main__ guard neutralized (emitter)
    out = reference(**setup_inputs())
    print(out.shape, out.dtype)

if __name__ == "__main__":
    import jax
    _d = setup_inputs()
    print(jax.jit(kernel)(*tuple(_d.values())))

</pallas_src>

<mosaic_0001>
#map = affine_map<(d0, d1) -> (0, 0)>
#map1 = affine_map<(d0, d1) -> (0)>
module attributes {stable_mosaic.version = 14 : i64} {
  func.func @_fls_sc_body(%arg0: i32, %arg1: i32, %arg2: memref<32x512xf32, #tpu.memory_space<hbm>>, %arg3: memref<2048xf32, #tpu.memory_space<hbm>>, %arg4: memref<64xf32, #tpu.memory_space<hbm>>, %arg5: memref<1024xf32, #tpu.memory_space<hbm>>, %arg6: memref<512xf32, #tpu.memory_space<vmem>>, %arg7: memref<2048xf32, #tpu.memory_space<vmem>>, %arg8: memref<80xf32, #tpu.memory_space<vmem>>, %arg9: memref<1024xf32, #tpu.memory_space<vmem>>, %arg10: memref<32xf32, #tpu.memory_space<vmem>>, %arg11: memref<32xf32, #tpu.memory_space<vmem>>, %arg12: memref<32xf32, #tpu.memory_space<vmem>>) attributes {dimension_semantics = [#tpu.dimension_semantics<core_parallel>, #tpu.dimension_semantics<subcore_parallel>], iteration_bounds = array<i64: 2, 16>, scalar_prefetch = 0 : i64, scratch_operands = 7 : i64, tpu.core_type = #tpu.core_type<sc_vector_subcore>, window_params = [{transform_indices = #map}, {transform_indices = #map1}, {transform_indices = #map1}, {transform_indices = #map1}]} {
    %mul3A = arith.constant 2 : i32
    %mul3A_0 = arith.muli %arg1, %mul3A : i32
    %add3A = arith.addi %mul3A_0, %arg0 : i32
    %mul3A_1 = arith.constant 32 : i32
    %mul3A_2 = arith.muli %add3A, %mul3A_1 : i32
    "tpu.region"() ({
      %run_scoped3A = tpu.sem_alloc : memref<!tpu.dma_semaphore, #tpu.memory_space<semaphore_mem>>
      %dma_start3A = arith.constant 0 : i32
      %dma_start3A_33 = tpu.memref_slice %arg2[%add3A, %dma_start3A] : memref<32x512xf32, #tpu.memory_space<hbm>> -> memref<1x512xf32, #tpu.memory_space<hbm>>
      %dma_start3A_34 = tpu.memref_squeeze %dma_start3A_33 : memref<1x512xf32, #tpu.memory_space<hbm>> -> memref<512xf32, #tpu.memory_space<hbm>>
      %dma_start3A_35 = arith.constant 0 : i32
      %dma_start3A_36 = tpu.memref_slice %arg2[%add3A, %dma_start3A_35] : memref<32x512xf32, #tpu.memory_space<hbm>> -> memref<1x512xf32, #tpu.memory_space<hbm>>
      %dma_start3A_37 = tpu.memref_squeeze %dma_start3A_36 : memref<1x512xf32, #tpu.memory_space<hbm>> -> memref<512xf32, #tpu.memory_space<hbm>>
      tpu.enqueue_dma source(%dma_start3A_37 : memref<512xf32, #tpu.memory_space<hbm>>) target(%arg6 : memref<512xf32, #tpu.memory_space<vmem>>) target_semaphore(%run_scoped3A : memref<!tpu.dma_semaphore, #tpu.memory_space<semaphore_mem>>)
      %dma_wait3A = arith.constant 0 : i32
      %dma_wait3A_38 = tpu.memref_slice %arg2[%add3A, %dma_wait3A] : memref<32x512xf32, #tpu.memory_space<hbm>> -> memref<1x512xf32, #tpu.memory_space<hbm>>
      %dma_wait3A_39 = tpu.memref_squeeze %dma_wait3A_38 : memref<1x512xf32, #tpu.memory_space<hbm>> -> memref<512xf32, #tpu.memory_space<hbm>>
      %dma_wait3A_40 = arith.constant 0 : i32
      %dma_wait3A_41 = tpu.memref_slice %arg2[%add3A, %dma_wait3A_40] : memref<32x512xf32, #tpu.memory_space<hbm>> -> memref<1x512xf32, #tpu.memory_space<hbm>>
      %dma_wait3A_42 = tpu.memref_squeeze %dma_wait3A_41 : memref<1x512xf32, #tpu.memory_space<hbm>> -> memref<512xf32, #tpu.memory_space<hbm>>
      tpu.wait_dma2 semaphore(%run_scoped3A : memref<!tpu.dma_semaphore, #tpu.memory_space<semaphore_mem>>) src(%dma_wait3A_42 : memref<512xf32, #tpu.memory_space<hbm>>) dst(%arg6 : memref<512xf32, #tpu.memory_space<vmem>>)
      tpu.yield
    }) : () -> ()
    "tpu.region"() ({
      %run_scoped3A = tpu.sem_alloc : memref<!tpu.dma_semaphore, #tpu.memory_space<semaphore_mem>>
      tpu.enqueue_dma source(%arg3 : memref<2048xf32, #tpu.memory_space<hbm>>) target(%arg7 : memref<2048xf32, #tpu.memory_space<vmem>>) target_semaphore(%run_scoped3A : memref<!tpu.dma_semaphore, #tpu.memory_space<semaphore_mem>>)
      tpu.wait_dma2 semaphore(%run_scoped3A : memref<!tpu.dma_semaphore, #tpu.memory_space<semaphore_mem>>) src(%arg3 : memref<2048xf32, #tpu.memory_space<hbm>>) dst(%arg7 : memref<2048xf32, #tpu.memory_space<vmem>>)
      tpu.yield
    }) : () -> ()
    "tpu.region"() ({
      %run_scoped3A = tpu.sem_alloc : memref<!tpu.dma_semaphore, #tpu.memory_space<semaphore_mem>>
      %dma_start3A = arith.constant 0 : i32
      %dma_start3A_33 = tpu.memref_slice %arg8[%dma_start3A] : memref<80xf32, #tpu.memory_space<vmem>> -> memref<64xf32, #tpu.memory_space<vmem>>
      %dma_start3A_34 = arith.constant 0 : i32
      %dma_start3A_35 = tpu.memref_slice %arg8[%dma_start3A_34] : memref<80xf32, #tpu.memory_space<vmem>> -> memref<64xf32, #tpu.memory_space<vmem>>
      tpu.enqueue_dma source(%arg4 : memref<64xf32, #tpu.memory_space<hbm>>) target(%dma_start3A_35 : memref<64xf32, #tpu.memory_space<vmem>>) target_semaphore(%run_scoped3A : memref<!tpu.dma_semaphore, #tpu.memory_space<semaphore_mem>>)
      %dma_wait3A = arith.constant 0 : i32
      %dma_wait3A_36 = tpu.memref_slice %arg8[%dma_wait3A] : memref<80xf32, #tpu.memory_space<vmem>> -> memref<64xf32, #tpu.memory_space<vmem>>
      %dma_wait3A_37 = arith.constant 0 : i32
      %dma_wait3A_38 = tpu.memref_slice %arg8[%dma_wait3A_37] : memref<80xf32, #tpu.memory_space<vmem>> -> memref<64xf32, #tpu.memory_space<vmem>>
      tpu.wait_dma2 semaphore(%run_scoped3A : memref<!tpu.dma_semaphore, #tpu.memory_space<semaphore_mem>>) src(%arg4 : memref<64xf32, #tpu.memory_space<hbm>>) dst(%dma_wait3A_38 : memref<64xf32, #tpu.memory_space<vmem>>)
      tpu.yield
    }) : () -> ()
    %parallel_loop3A = arith.constant 0 : i32
    %parallel_loop3A_3 = arith.constant 64 : i32
    %parallel_loop3A_4 = arith.constant 1 : i32
    scf.for %parallel_loop3A_33 = %parallel_loop3A to %parallel_loop3A_3 step %parallel_loop3A_4  : i32 {
      %parallel_loop3A_34 = arith.constant 16 : i32
      %parallel_loop3A_35 = arith.muli %parallel_loop3A_33, %parallel_loop3A_34 : i32
      %parallel_loop3A_36 = arith.index_cast %parallel_loop3A_35 : i32 to index
      %parallel_loop3A_37 = tpu.vector_load %arg7[%parallel_loop3A_36] {strides = array<i32>} : memref<2048xf32, #tpu.memory_space<vmem>>, vector<16xf32>,
      %parallel_loop3A_38 = vector.shape_cast %parallel_loop3A_37 : vector<16xf32> to vector<16xf32>
      %parallel_loop3A_39 = arith.mulf %parallel_loop3A_38, %parallel_loop3A_38 : vector<16xf32>
      %parallel_loop3A_40 = arith.constant -5.000000e-01 : f32
      %parallel_loop3A_41 = vector.broadcast %parallel_loop3A_40 : f32 to vector<16xf32>
      %parallel_loop3A_42 = arith.divf %parallel_loop3A_41, %parallel_loop3A_39 : vector<16xf32>
      %parallel_loop3A_43 = arith.constant 16 : i32
      %parallel_loop3A_44 = arith.muli %parallel_loop3A_33, %parallel_loop3A_43 : i32
      %parallel_loop3A_45 = arith.index_cast %parallel_loop3A_44 : i32 to index
      %parallel_loop3A_46 = tpu.vector_load %arg9[%parallel_loop3A_45] {strides = array<i32>} : memref<1024xf32, #tpu.memory_space<vmem>>, vector<16xf32>,
      %parallel_loop3A_47 = vector.shape_cast %parallel_loop3A_46 : vector<16xf32> to vector<16xf32>
      %parallel_loop3A_48 = vector.shape_cast %parallel_loop3A_42 : vector<16xf32> to vector<16xf32>
      tpu.vector_store %arg9[%parallel_loop3A_45], %parallel_loop3A_48 {strides = array<i32>} : memref<1024xf32, #tpu.memory_space<vmem>>, vector<16xf32>,
    } {sc.loop_unroll_factor = 1 : i64, sc.parallel_access}
    %broadcast_in_dim3A = arith.constant 0.000000e+00 : f32
    %broadcast_in_dim3A_5 = vector.broadcast %broadcast_in_dim3A : f32 to vector<16xf32>
    %parallel_loop3A_6 = arith.constant 0 : i32
    %parallel_loop3A_7 = arith.constant 2 : i32
    %parallel_loop3A_8 = arith.constant 1 : i32
    scf.for %parallel_loop3A_33 = %parallel_loop3A_6 to %parallel_loop3A_7 step %parallel_loop3A_8  : i32 {
      %parallel_loop3A_34 = arith.constant 16 : i32
      %parallel_loop3A_35 = arith.muli %parallel_loop3A_33, %parallel_loop3A_34 : i32
      %parallel_loop3A_36 = arith.index_cast %parallel_loop3A_35 : i32 to index
      %parallel_loop3A_37 = tpu.vector_load %arg11[%parallel_loop3A_36] {strides = array<i32>} : memref<32xf32, #tpu.memory_space<vmem>>, vector<16xf32>,
      %parallel_loop3A_38 = vector.shape_cast %parallel_loop3A_37 : vector<16xf32> to vector<16xf32>
      %parallel_loop3A_39 = vector.shape_cast %broadcast_in_dim3A_5 : vector<16xf32> to vector<16xf32>
      tpu.vector_store %arg11[%parallel_loop3A_36], %parallel_loop3A_39 {strides = array<i32>} : memref<32xf32, #tpu.memory_space<vmem>>, vector<16xf32>,
      %parallel_loop3A_40 = arith.constant 16 : i32
      %parallel_loop3A_41 = arith.muli %parallel_loop3A_33, %parallel_loop3A_40 : i32
      %parallel_loop3A_42 = arith.index_cast %parallel_loop3A_41 : i32 to index
      %parallel_loop3A_43 = tpu.vector_load %arg12[%parallel_loop3A_42] {strides = array<i32>} : memref<32xf32, #tpu.memory_space<vmem>>, vector<16xf32>,
      %parallel_loop3A_44 = vector.shape_cast %parallel_loop3A_43 : vector<16xf32> to vector<16xf32>
      %parallel_loop3A_45 = vector.shape_cast %broadcast_in_dim3A_5 : vector<16xf32> to vector<16xf32>
      tpu.vector_store %arg12[%parallel_loop3A_42], %parallel_loop3A_45 {strides = array<i32>} : memref<32xf32, #tpu.memory_space<vmem>>, vector<16xf32>,
    } {sc.loop_unroll_factor = 1 : i64, sc.parallel_access}
    %scan3A = arith.constant 0 : i32
    %scan3A_9 = arith.constant 0 : i32
    %scan3A_10 = arith.constant 64 : i32
    %scan3A_11 = arith.addi %scan3A_9, %scan3A_10 : i32
    %scan3A_12 = arith.constant 1 : i32
    scf.for %scan3A_33 = %scan3A_9 to %scan3A_11 step %scan3A_12  : i32 {
      %mul3A_34 = arith.constant 16 : i32
      %mul3A_35 = arith.muli %scan3A_33, %mul3A_34 : i32
      %get3A_36 = arith.index_cast %mul3A_35 : i32 to index
      %get3A_37 = tpu.vector_load %arg9[%get3A_36] {strides = array<i32>} : memref<1024xf32, #tpu.memory_space<vmem>>, vector<16xf32>,
      %get3A_38 = vector.shape_cast %get3A_37 : vector<16xf32> to vector<16xf32>
      %add3A_39 = arith.constant 1 : i32
      %add3A_40 = arith.addi %mul3A_35, %add3A_39 : i32
      %get3A_41 = arith.index_cast %add3A_40 : i32 to index
      %get3A_42 = tpu.vector_load %arg7[%get3A_41] {strides = array<i32>} : memref<2048xf32, #tpu.memory_space<vmem>>, vector<16xf32>,
      %get3A_43 = vector.shape_cast %get3A_42 : vector<16xf32> to vector<16xf32>
      %slice3A = vector.extract_strided_slice %get3A_38 {offsets = [0], sizes = [1], strides = [1]} : vector<16xf32> to vector<1xf32>
      %squeeze3A = vector.extract %slice3A[0] : f32 from vector<1xf32>
      %slice3A_44 = vector.extract_strided_slice %get3A_38 {offsets = [1], sizes = [1], strides = [1]} : vector<16xf32> to vector<1xf32>
      %squeeze3A_45 = vector.extract %slice3A_44[0] : f32 from vector<1xf32>
      %slice3A_46 = vector.extract_strided_slice %get3A_38 {offsets = [2], sizes = [1], strides = [1]} : vector<16xf32> to vector<1xf32>
      %squeeze3A_47 = vector.extract %slice3A_46[0] : f32 from vector<1xf32>
      %slice3A_48 = vector.extract_strided_slice %get3A_38 {offsets = [3], sizes = [1], strides = [1]} : vector<16xf32> to vector<1xf32>
      %squeeze3A_49 = vector.extract %slice3A_48[0] : f32 from vector<1xf32>
      %slice3A_50 = vector.extract_strided_slice %get3A_38 {offsets = [4], sizes = [1], strides = [1]} : vector<16xf32> to vector<1xf32>
      %squeeze3A_51 = vector.extract %slice3A_50[0] : f32 from vector<1xf32>
      %slice3A_52 = vector.extract_strided_slice %get3A_38 {offsets = [5], sizes = [1], strides = [1]} : vector<16xf32> to vector<1xf32>
      %squeeze3A_53 = vector.extract %slice3A_52[0] : f32 from vector<1xf32>
      %slice3A_54 = vector.extract_strided_slice %get3A_38 {offsets = [6], sizes = [1], strides = [1]} : vector<16xf32> to vector<1xf32>
      %squeeze3A_55 = vector.extract %slice3A_54[0] : f32 from vector<1xf32>
      %slice3A_56 = vector.extract_strided_slice %get3A_38 {offsets = [7], sizes = [1], strides = [1]} : vector<16xf32> to vector<1xf32>
      %squeeze3A_57 = vector.extract %slice3A_56[0] : f32 from vector<1xf32>
      %slice3A_58 = vector.extract_strided_slice %get3A_38 {offsets = [8], sizes = [1], strides = [1]} : vector<16xf32> to vector<1xf32>
      %squeeze3A_59 = vector.extract %slice3A_58[0] : f32 from vector<1xf32>
      %slice3A_60 = vector.extract_strided_slice %get3A_38 {offsets = [9], sizes = [1], strides = [1]} : vector<16xf32> to vector<1xf32>
      %squeeze3A_61 = vector.extract %slice3A_60[0] : f32 from vector<1xf32>
      %slice3A_62 = vector.extract_strided_slice %get3A_38 {offsets = [10], sizes = [1], strides = [1]} : vector<16xf32> to vector<1xf32>
      %squeeze3A_63 = vector.extract %slice3A_62[0] : f32 from vector<1xf32>
      %slice3A_64 = vector.extract_strided_slice %get3A_38 {offsets = [11], sizes = [1], strides = [1]} : vector<16xf32> to vector<1xf32>
      %squeeze3A_65 = vector.extract %slice3A_64[0] : f32 from vector<1xf32>
      %slice3A_66 = vector.extract_strided_slice %get3A_38 {offsets = [12], sizes = [1], strides = [1]} : vector<16xf32> to vector<1xf32>
      %squeeze3A_67 = vector.extract %slice3A_66[0] : f32 from vector<1xf32>
      %slice3A_68 = vector.extract_strided_slice %get3A_38 {offsets = [13], sizes = [1], strides = [1]} : vector<16xf32> to vector<1xf32>
      %squeeze3A_69 = vector.extract %slice3A_68[0] : f32 from vector<1xf32>
      %slice3A_70 = vector.extract_strided_slice %get3A_38 {offsets = [14], sizes = [1], strides = [1]} : vector<16xf32> to vector<1xf32>
      %squeeze3A_71 = vector.extract %slice3A_70[0] : f32 from vector<1xf32>
      %slice3A_72 = vector.extract_strided_slice %get3A_38 {offsets = [15], sizes = [1], strides = [1]} : vector<16xf32> to vector<1xf32>
      %squeeze3A_73 = vector.extract %slice3A_72[0] : f32 from vector<1xf32>
      %slice3A_74 = vector.extract_strided_slice %get3A_43 {offsets = [0], sizes = [1], strides = [1]} : vector<16xf32> to vector<1xf32>
      %squeeze3A_75 = vector.extract %slice3A_74[0] : f32 from vector<1xf32>
      %slice3A_76 = vector.extract_strided_slice %get3A_43 {offsets = [1], sizes = [1], strides = [1]} : vector<16xf32> to vector<1xf32>
      %squeeze3A_77 = vector.extract %slice3A_76[0] : f32 from vector<1xf32>
      %slice3A_78 = vector.extract_strided_slice %get3A_43 {offsets = [2], sizes = [1], strides = [1]} : vector<16xf32> to vector<1xf32>
      %squeeze3A_79 = vector.extract %slice3A_78[0] : f32 from vector<1xf32>
      %slice3A_80 = vector.extract_strided_slice %get3A_43 {offsets = [3], sizes = [1], strides = [1]} : vector<16xf32> to vector<1xf32>
      %squeeze3A_81 = vector.extract %slice3A_80[0] : f32 from vector<1xf32>
      %slice3A_82 = vector.extract_strided_slice %get3A_43 {offsets = [4], sizes = [1], strides = [1]} : vector<16xf32> to vector<1xf32>
      %squeeze3A_83 = vector.extract %slice3A_82[0] : f32 from vector<1xf32>
      %slice3A_84 = vector.extract_strided_slice %get3A_43 {offsets = [5], sizes = [1], strides = [1]} : vector<16xf32> to vector<1xf32>
      %squeeze3A_85 = vector.extract %slice3A_84[0] : f32 from vector<1xf32>
      %slice3A_86 = vector.extract_strided_slice %get3A_43 {offsets = [6], sizes = [1], strides = [1]} : vector<16xf32> to vector<1xf32>
      %squeeze3A_87 = vector.extract %slice3A_86[0] : f32 from vector<1xf32>
      %slice3A_88 = vector.extract_strided_slice %get3A_43 {offsets = [7], sizes = [1], strides = [1]} : vector<16xf32> to vector<1xf32>
      %squeeze3A_89 = vector.extract %slice3A_88[0] : f32 from vector<1xf32>
      %slice3A_90 = vector.extract_strided_slice %get3A_43 {offsets = [8], sizes = [1], strides = [1]} : vector<16xf32> to vector<1xf32>
      %squeeze3A_91 = vector.extract %slice3A_90[0] : f32 from vector<1xf32>
      %slice3A_92 = vector.extract_strided_slice %get3A_43 {offsets = [9], sizes = [1], strides = [1]} : vector<16xf32> to vector<1xf32>
      %squeeze3A_93 = vector.extract %slice3A_92[0] : f32 from vector<1xf32>
      %slice3A_94 = vector.extract_strided_slice %get3A_43 {offsets = [10], sizes = [1], strides = [1]} : vector<16xf32> to vector<1xf32>
      %squeeze3A_95 = vector.extract %slice3A_94[0] : f32 from vector<1xf32>
      %slice3A_96 = vector.extract_strided_slice %get3A_43 {offsets = [11], sizes = [1], strides = [1]} : vector<16xf32> to vector<1xf32>
      %squeeze3A_97 = vector.extract %slice3A_96[0] : f32 from vector<1xf32>
      %slice3A_98 = vector.extract_strided_slice %get3A_43 {offsets = [12], sizes = [1], strides = [1]} : vector<16xf32> to vector<1xf32>
      %squeeze3A_99 = vector.extract %slice3A_98[0] : f32 from vector<1xf32>
      %slice3A_100 = vector.extract_strided_slice %get3A_43 {offsets = [13], sizes = [1], strides = [1]} : vector<16xf32> to vector<1xf32>
      %squeeze3A_101 = vector.extract %slice3A_100[0] : f32 from vector<1xf32>
      %slice3A_102 = vector.extract_strided_slice %get3A_43 {offsets = [14], sizes = [1], strides = [1]} : vector<16xf32> to vector<1xf32>
      %squeeze3A_103 = vector.extract %slice3A_102[0] : f32 from vector<1xf32>
      %slice3A_104 = vector.extract_strided_slice %get3A_43 {offsets = [15], sizes = [1], strides = [1]} : vector<16xf32> to vector<1xf32>
      %squeeze3A_105 = vector.extract %slice3A_104[0] : f32 from vector<1xf32>
      %get3A_106 = arith.index_cast %scan3A_33 : i32 to index
      %get3A_107 = tpu.vector_load %arg8[%get3A_106] {strides = array<i32>} : memref<80xf32, #tpu.memory_space<vmem>>, vector<16xf32>,
      %get3A_108 = vector.shape_cast %get3A_107 : vector<16xf32> to vector<16xf32>
      %slice3A_109 = vector.extract_strided_slice %get3A_108 {offsets = [0], sizes = [1], strides = [1]} : vector<16xf32> to vector<1xf32>
      %squeeze3A_110 = vector.extract %slice3A_109[0] : f32 from vector<1xf32>
      %parallel_loop3A_111 = arith.constant 0 : i32
      %parallel_loop3A_112 = arith.constant 2 : i32
      %parallel_loop3A_113 = arith.constant 1 : i32
      scf.for %parallel_loop3A_114 = %parallel_loop3A_111 to %parallel_loop3A_112 step %parallel_loop3A_113  : i32 {
        %parallel_loop3A_115 = arith.constant 16 : i32
        %parallel_loop3A_116 = arith.muli %parallel_loop3A_114, %parallel_loop3A_115 : i32
        %parallel_loop3A_117 = arith.constant 0 : i32
        %parallel_loop3A_118 = arith.addi %parallel_loop3A_117, %parallel_loop3A_116 : i32
        %parallel_loop3A_119 = arith.index_cast %parallel_loop3A_118 : i32 to index
        %parallel_loop3A_120 = tpu.vector_load %arg6[%parallel_loop3A_119] {strides = array<i32>} : memref<512xf32, #tpu.memory_space<vmem>>, vector<16xf32>,
        %parallel_loop3A_121 = vector.shape_cast %parallel_loop3A_120 : vector<16xf32> to vector<16xf32>
        %parallel_loop3A_122 = vector.broadcast %squeeze3A_75 : f32 to vector<16xf32>
        %parallel_loop3A_123 = arith.subf %parallel_loop3A_121, %parallel_loop3A_122 : vector<16xf32>
        %parallel_loop3A_124 = vector.broadcast %squeeze3A : f32 to vector<16xf32>
        %parallel_loop3A_125 = arith.mulf %parallel_loop3A_124, %parallel_loop3A_123 : vector<16xf32>
        %parallel_loop3A_126 = arith.mulf %parallel_loop3A_125, %parallel_loop3A_123 : vector<16xf32>
        %parallel_loop3A_127 = arith.addf %broadcast_in_dim3A_5, %parallel_loop3A_126 : vector<16xf32>
        %parallel_loop3A_128 = arith.constant 16 : i32
        %parallel_loop3A_129 = arith.muli %parallel_loop3A_114, %parallel_loop3A_128 : i32
        %parallel_loop3A_130 = arith.constant 32 : i32
        %parallel_loop3A_131 = arith.addi %parallel_loop3A_130, %parallel_loop3A_129 : i32
        %parallel_loop3A_132 = arith.index_cast %parallel_loop3A_131 : i32 to index
        %parallel_loop3A_133 = tpu.vector_load %arg6[%parallel_loop3A_132] {strides = array<i32>} : memref<512xf32, #tpu.memory_space<vmem>>, vector<16xf32>,
        %parallel_loop3A_134 = vector.shape_cast %parallel_loop3A_133 : vector<16xf32> to vector<16xf32>
        %parallel_loop3A_135 = vector.broadcast %squeeze3A_77 : f32 to vector<16xf32>
        %parallel_loop3A_136 = arith.subf %parallel_loop3A_134, %parallel_loop3A_135 : vector<16xf32>
        %parallel_loop3A_137 = vector.broadcast %squeeze3A_45 : f32 to vector<16xf32>
        %parallel_loop3A_138 = arith.mulf %parallel_loop3A_137, %parallel_loop3A_136 : vector<16xf32>
        %parallel_loop3A_139 = arith.mulf %parallel_loop3A_138, %parallel_loop3A_136 : vector<16xf32>
        %parallel_loop3A_140 = arith.addf %parallel_loop3A_127, %parallel_loop3A_139 : vector<16xf32>
        %parallel_loop3A_141 = arith.constant 16 : i32
        %parallel_loop3A_142 = arith.muli %parallel_loop3A_114, %parallel_loop3A_141 : i32
        %parallel_loop3A_143 = arith.constant 64 : i32
        %parallel_loop3A_144 = arith.addi %parallel_loop3A_143, %parallel_loop3A_142 : i32
        %parallel_loop3A_145 = arith.index_cast %parallel_loop3A_144 : i32 to index
        %parallel_loop3A_146 = tpu.vector_load %arg6[%parallel_loop3A_145] {strides = array<i32>} : memref<512xf32, #tpu.memory_space<vmem>>, vector<16xf32>,
        %parallel_loop3A_147 = vector.shape_cast %parallel_loop3A_146 : vector<16xf32> to vector<16xf32>
        %parallel_loop3A_148 = vector.broadcast %squeeze3A_79 : f32 to vector<16xf32>
        %parallel_loop3A_149 = arith.subf %parallel_loop3A_147, %parallel_loop3A_148 : vector<16xf32>
        %parallel_loop3A_150 = vector.broadcast %squeeze3A_47 : f32 to vector<16xf32>
        %parallel_loop3A_151 = arith.mulf %parallel_loop3A_150, %parallel_loop3A_149 : vector<16xf32>
        %parallel_loop3A_152 = arith.mulf %parallel_loop3A_151, %parallel_loop3A_149 : vector<16xf32>
        %parallel_loop3A_153 = arith.addf %parallel_loop3A_140, %parallel_loop3A_152 : vector<16xf32>
        %parallel_loop3A_154 = arith.constant 16 : i32
        %parallel_loop3A_155 = arith.muli %parallel_loop3A_114, %parallel_loop3A_154 : i32
        %parallel_loop3A_156 = arith.constant 96 : i32
        %parallel_loop3A_157 = arith.addi %parallel_loop3A_156, %parallel_loop3A_155 : i32
        %parallel_loop3A_158 = arith.index_cast %parallel_loop3A_157 : i32 to index
        %parallel_loop3A_159 = tpu.vector_load %arg6[%parallel_loop3A_158] {strides = array<i32>} : memref<512xf32, #tpu.memory_space<vmem>>, vector<16xf32>,
        %parallel_loop3A_160 = vector.shape_cast %parallel_loop3A_159 : vector<16xf32> to vector<16xf32>
        %parallel_loop3A_161 = vector.broadcast %squeeze3A_81 : f32 to vector<16xf32>
        %parallel_loop3A_162 = arith.subf %parallel_loop3A_160, %parallel_loop3A_161 : vector<16xf32>
        %parallel_loop3A_163 = vector.broadcast %squeeze3A_49 : f32 to vector<16xf32>
        %parallel_loop3A_164 = arith.mulf %parallel_loop3A_163, %parallel_loop3A_162 : vector<16xf32>
        %parallel_loop3A_165 = arith.mulf %parallel_loop3A_164, %parallel_loop3A_162 : vector<16xf32>
        %parallel_loop3A_166 = arith.addf %parallel_loop3A_153, %parallel_loop3A_165 : vector<16xf32>
        %parallel_loop3A_167 = arith.constant 16 : i32
        %parallel_loop3A_168 = arith.muli %parallel_loop3A_114, %parallel_loop3A_167 : i32
        %parallel_loop3A_169 = arith.constant 128 : i32
        %parallel_loop3A_170 = arith.addi %parallel_loop3A_169, %parallel_loop3A_168 : i32
        %parallel_loop3A_171 = arith.index_cast %parallel_loop3A_170 : i32 to index
        %parallel_loop3A_172 = tpu.vector_load %arg6[%parallel_loop3A_171] {strides = array<i32>} : memref<512xf32, #tpu.memory_space<vmem>>, vector<16xf32>,
        %parallel_loop3A_173 = vector.shape_cast %parallel_loop3A_172 : vector<16xf32> to vector<16xf32>
        %parallel_loop3A_174 = vector.broadcast %squeeze3A_83 : f32 to vector<16xf32>
        %parallel_loop3A_175 = arith.subf %parallel_loop3A_173, %parallel_loop3A_174 : vector<16xf32>
        %parallel_loop3A_176 = vector.broadcast %squeeze3A_51 : f32 to vector<16xf32>
        %parallel_loop3A_177 = arith.mulf %parallel_loop3A_176, %parallel_loop3A_175 : vector<16xf32>
        %parallel_loop3A_178 = arith.mulf %parallel_loop3A_177, %parallel_loop3A_175 : vector<16xf32>
        %parallel_loop3A_179 = arith.addf %parallel_loop3A_166, %parallel_loop3A_178 : vector<16xf32>
        %parallel_loop3A_180 = arith.constant 16 : i32
        %parallel_loop3A_181 = arith.muli %parallel_loop3A_114, %parallel_loop3A_180 : i32
        %parallel_loop3A_182 = arith.constant 160 : i32
        %parallel_loop3A_183 = arith.addi %parallel_loop3A_182, %parallel_loop3A_181 : i32
        %parallel_loop3A_184 = arith.index_cast %parallel_loop3A_183 : i32 to index
        %parallel_loop3A_185 = tpu.vector_load %arg6[%parallel_loop3A_184] {strides = array<i32>} : memref<512xf32, #tpu.memory_space<vmem>>, vector<16xf32>,
        %parallel_loop3A_186 = vector.shape_cast %parallel_loop3A_185 : vector<16xf32> to vector<16xf32>
        %parallel_loop3A_187 = vector.broadcast %squeeze3A_85 : f32 to vector<16xf32>
        %parallel_loop3A_188 = arith.subf %parallel_loop3A_186, %parallel_loop3A_187 : vector<16xf32>
        %parallel_loop3A_189 = vector.broadcast %squeeze3A_53 : f32 to vector<16xf32>
        %parallel_loop3A_190 = arith.mulf %parallel_loop3A_189, %parallel_loop3A_188 : vector<16xf32>
        %parallel_loop3A_191 = arith.mulf %parallel_loop3A_190, %parallel_loop3A_188 : vector<16xf32>
        %parallel_loop3A_192 = arith.addf %parallel_loop3A_179, %parallel_loop3A_191 : vector<16xf32>
        %parallel_loop3A_193 = arith.constant 16 : i32
        %parallel_loop3A_194 = arith.muli %parallel_loop3A_114, %parallel_loop3A_193 : i32
        %parallel_loop3A_195 = arith.constant 192 : i32
        %parallel_loop3A_196 = arith.addi %parallel_loop3A_195, %parallel_loop3A_194 : i32
        %parallel_loop3A_197 = arith.index_cast %parallel_loop3A_196 : i32 to index
        %parallel_loop3A_198 = tpu.vector_load %arg6[%parallel_loop3A_197] {strides = array<i32>} : memref<512xf32, #tpu.memory_space<vmem>>, vector<16xf32>,
        %parallel_loop3A_199 = vector.shape_cast %parallel_loop3A_198 : vector<16xf32> to vector<16xf32>
        %parallel_loop3A_200 = vector.broadcast %squeeze3A_87 : f32 to vector<16xf32>
        %parallel_loop3A_201 = arith.subf %parallel_loop3A_199, %parallel_loop3A_200 : vector<16xf32>
        %parallel_loop3A_202 = vector.broadcast %squeeze3A_55 : f32 to vector<16xf32>
        %parallel_loop3A_203 = arith.mulf %parallel_loop3A_202, %parallel_loop3A_201 : vector<16xf32>
        %parallel_loop3A_204 = arith.mulf %parallel_loop3A_203, %parallel_loop3A_201 : vector<16xf32>
        %parallel_loop3A_205 = arith.addf %parallel_loop3A_192, %parallel_loop3A_204 : vector<16xf32>
        %parallel_loop3A_206 = arith.constant 16 : i32
        %parallel_loop3A_207 = arith.muli %parallel_loop3A_114, %parallel_loop3A_206 : i32
        %parallel_loop3A_208 = arith.constant 224 : i32
        %parallel_loop3A_209 = arith.addi %parallel_loop3A_208, %parallel_loop3A_207 : i32
        %parallel_loop3A_210 = arith.index_cast %parallel_loop3A_209 : i32 to index
        %parallel_loop3A_211 = tpu.vector_load %arg6[%parallel_loop3A_210] {strides = array<i32>} : memref<512xf32, #tpu.memory_space<vmem>>, vector<16xf32>,
        %parallel_loop3A_212 = vector.shape_cast %parallel_loop3A_211 : vector<16xf32> to vector<16xf32>
        %parallel_loop3A_213 = vector.broadcast %squeeze3A_89 : f32 to vector<16xf32>
        %parallel_loop3A_214 = arith.subf %parallel_loop3A_212, %parallel_loop3A_213 : vector<16xf32>
        %parallel_loop3A_215 = vector.broadcast %squeeze3A_57 : f32 to vector<16xf32>
        %parallel_loop3A_216 = arith.mulf %parallel_loop3A_215, %parallel_loop3A_214 : vector<16xf32>
        %parallel_loop3A_217 = arith.mulf %parallel_loop3A_216, %parallel_loop3A_214 : vector<16xf32>
        %parallel_loop3A_218 = arith.addf %parallel_loop3A_205, %parallel_loop3A_217 : vector<16xf32>
        %parallel_loop3A_219 = arith.constant 16 : i32
        %parallel_loop3A_220 = arith.muli %parallel_loop3A_114, %parallel_loop3A_219 : i32
        %parallel_loop3A_221 = arith.constant 256 : i32
        %parallel_loop3A_222 = arith.addi %parallel_loop3A_221, %parallel_loop3A_220 : i32
        %parallel_loop3A_223 = arith.index_cast %parallel_loop3A_222 : i32 to index
        %parallel_loop3A_224 = tpu.vector_load %arg6[%parallel_loop3A_223] {strides = array<i32>} : memref<512xf32, #tpu.memory_space<vmem>>, vector<16xf32>,
        %parallel_loop3A_225 = vector.shape_cast %parallel_loop3A_224 : vector<16xf32> to vector<16xf32>
        %parallel_loop3A_226 = vector.broadcast %squeeze3A_91 : f32 to vector<16xf32>
        %parallel_loop3A_227 = arith.subf %parallel_loop3A_225, %parallel_loop3A_226 : vector<16xf32>
        %parallel_loop3A_228 = vector.broadcast %squeeze3A_59 : f32 to vector<16xf32>
        %parallel_loop3A_229 = arith.mulf %parallel_loop3A_228, %parallel_loop3A_227 : vector<16xf32>
        %parallel_loop3A_230 = arith.mulf %parallel_loop3A_229, %parallel_loop3A_227 : vector<16xf32>
        %parallel_loop3A_231 = arith.addf %parallel_loop3A_218, %parallel_loop3A_230 : vector<16xf32>
        %parallel_loop3A_232 = arith.constant 16 : i32
        %parallel_loop3A_233 = arith.muli %parallel_loop3A_114, %parallel_loop3A_232 : i32
        %parallel_loop3A_234 = arith.constant 288 : i32
        %parallel_loop3A_235 = arith.addi %parallel_loop3A_234, %parallel_loop3A_233 : i32
        %parallel_loop3A_236 = arith.index_cast %parallel_loop3A_235 : i32 to index
        %parallel_loop3A_237 = tpu.vector_load %arg6[%parallel_loop3A_236] {strides = array<i32>} : memref<512xf32, #tpu.memory_space<vmem>>, vector<16xf32>,
        %parallel_loop3A_238 = vector.shape_cast %parallel_loop3A_237 : vector<16xf32> to vector<16xf32>
        %parallel_loop3A_239 = vector.broadcast %squeeze3A_93 : f32 to vector<16xf32>
        %parallel_loop3A_240 = arith.subf %parallel_loop3A_238, %parallel_loop3A_239 : vector<16xf32>
        %parallel_loop3A_241 = vector.broadcast %squeeze3A_61 : f32 to vector<16xf32>
        %parallel_loop3A_242 = arith.mulf %parallel_loop3A_241, %parallel_loop3A_240 : vector<16xf32>
        %parallel_loop3A_243 = arith.mulf %parallel_loop3A_242, %parallel_loop3A_240 : vector<16xf32>
        %parallel_loop3A_244 = arith.addf %parallel_loop3A_231, %parallel_loop3A_243 : vector<16xf32>
        %parallel_loop3A_245 = arith.constant 16 : i32
        %parallel_loop3A_246 = arith.muli %parallel_loop3A_114, %parallel_loop3A_245 : i32
        %parallel_loop3A_247 = arith.constant 320 : i32
        %parallel_loop3A_248 = arith.addi %parallel_loop3A_247, %parallel_loop3A_246 : i32
        %parallel_loop3A_249 = arith.index_cast %parallel_loop3A_248 : i32 to index
        %parallel_loop3A_250 = tpu.vector_load %arg6[%parallel_loop3A_249] {strides = array<i32>} : memref<512xf32, #tpu.memory_space<vmem>>, vector<16xf32>,
        %parallel_loop3A_251 = vector.shape_cast %parallel_loop3A_250 : vector<16xf32> to vector<16xf32>
        %parallel_loop3A_252 = vector.broadcast %squeeze3A_95 : f32 to vector<16xf32>
        %parallel_loop3A_253 = arith.subf %parallel_loop3A_251, %parallel_loop3A_252 : vector<16xf32>
        %parallel_loop3A_254 = vector.broadcast %squeeze3A_63 : f32 to vector<16xf32>
        %parallel_loop3A_255 = arith.mulf %parallel_loop3A_254, %parallel_loop3A_253 : vector<16xf32>
        %parallel_loop3A_256 = arith.mulf %parallel_loop3A_255, %parallel_loop3A_253 : vector<16xf32>
        %parallel_loop3A_257 = arith.addf %parallel_loop3A_244, %parallel_loop3A_256 : vector<16xf32>
        %parallel_loop3A_258 = arith.constant 16 : i32
        %parallel_loop3A_259 = arith.muli %parallel_loop3A_114, %parallel_loop3A_258 : i32
        %parallel_loop3A_260 = arith.constant 352 : i32
        %parallel_loop3A_261 = arith.addi %parallel_loop3A_260, %parallel_loop3A_259 : i32
        %parallel_loop3A_262 = arith.index_cast %parallel_loop3A_261 : i32 to index
        %parallel_loop3A_263 = tpu.vector_load %arg6[%parallel_loop3A_262] {strides = array<i32>} : memref<512xf32, #tpu.memory_space<vmem>>, vector<16xf32>,
        %parallel_loop3A_264 = vector.shape_cast %parallel_loop3A_263 : vector<16xf32> to vector<16xf32>
        %parallel_loop3A_265 = vector.broadcast %squeeze3A_97 : f32 to vector<16xf32>
        %parallel_loop3A_266 = arith.subf %parallel_loop3A_264, %parallel_loop3A_265 : vector<16xf32>
        %parallel_loop3A_267 = vector.broadcast %squeeze3A_65 : f32 to vector<16xf32>
        %parallel_loop3A_268 = arith.mulf %parallel_loop3A_267, %parallel_loop3A_266 : vector<16xf32>
        %parallel_loop3A_269 = arith.mulf %parallel_loop3A_268, %parallel_loop3A_266 : vector<16xf32>
        %parallel_loop3A_270 = arith.addf %parallel_loop3A_257, %parallel_loop3A_269 : vector<16xf32>
        %parallel_loop3A_271 = arith.constant 16 : i32
        %parallel_loop3A_272 = arith.muli %parallel_loop3A_114, %parallel_loop3A_271 : i32
        %parallel_loop3A_273 = arith.constant 384 : i32
        %parallel_loop3A_274 = arith.addi %parallel_loop3A_273, %parallel_loop3A_272 : i32
        %parallel_loop3A_275 = arith.index_cast %parallel_loop3A_274 : i32 to index
        %parallel_loop3A_276 = tpu.vector_load %arg6[%parallel_loop3A_275] {strides = array<i32>} : memref<512xf32, #tpu.memory_space<vmem>>, vector<16xf32>,
        %parallel_loop3A_277 = vector.shape_cast %parallel_loop3A_276 : vector<16xf32> to vector<16xf32>
        %parallel_loop3A_278 = vector.broadcast %squeeze3A_99 : f32 to vector<16xf32>
        %parallel_loop3A_279 = arith.subf %parallel_loop3A_277, %parallel_loop3A_278 : vector<16xf32>
        %parallel_loop3A_280 = vector.broadcast %squeeze3A_67 : f32 to vector<16xf32>
        %parallel_loop3A_281 = arith.mulf %parallel_loop3A_280, %parallel_loop3A_279 : vector<16xf32>
        %parallel_loop3A_282 = arith.mulf %parallel_loop3A_281, %parallel_loop3A_279 : vector<16xf32>
        %parallel_loop3A_283 = arith.addf %parallel_loop3A_270, %parallel_loop3A_282 : vector<16xf32>
        %parallel_loop3A_284 = arith.constant 16 : i32
        %parallel_loop3A_285 = arith.muli %parallel_loop3A_114, %parallel_loop3A_284 : i32
        %parallel_loop3A_286 = arith.constant 416 : i32
        %parallel_loop3A_287 = arith.addi %parallel_loop3A_286, %parallel_loop3A_285 : i32
        %parallel_loop3A_288 = arith.index_cast %parallel_loop3A_287 : i32 to index
        %parallel_loop3A_289 = tpu.vector_load %arg6[%parallel_loop3A_288] {strides = array<i32>} : memref<512xf32, #tpu.memory_space<vmem>>, vector<16xf32>,
        %parallel_loop3A_290 = vector.shape_cast %parallel_loop3A_289 : vector<16xf32> to vector<16xf32>
        %parallel_loop3A_291 = vector.broadcast %squeeze3A_101 : f32 to vector<16xf32>
        %parallel_loop3A_292 = arith.subf %parallel_loop3A_290, %parallel_loop3A_291 : vector<16xf32>
        %parallel_loop3A_293 = vector.broadcast %squeeze3A_69 : f32 to vector<16xf32>
        %parallel_loop3A_294 = arith.mulf %parallel_loop3A_293, %parallel_loop3A_292 : vector<16xf32>
        %parallel_loop3A_295 = arith.mulf %parallel_loop3A_294, %parallel_loop3A_292 : vector<16xf32>
        %parallel_loop3A_296 = arith.addf %parallel_loop3A_283, %parallel_loop3A_295 : vector<16xf32>
        %parallel_loop3A_297 = arith.constant 16 : i32
        %parallel_loop3A_298 = arith.muli %parallel_loop3A_114, %parallel_loop3A_297 : i32
        %parallel_loop3A_299 = arith.constant 448 : i32
        %parallel_loop3A_300 = arith.addi %parallel_loop3A_299, %parallel_loop3A_298 : i32
        %parallel_loop3A_301 = arith.index_cast %parallel_loop3A_300 : i32 to index
        %parallel_loop3A_302 = tpu.vector_load %arg6[%parallel_loop3A_301] {strides = array<i32>} : memref<512xf32, #tpu.memory_space<vmem>>, vector<16xf32>,
        %parallel_loop3A_303 = vector.shape_cast %parallel_loop3A_302 : vector<16xf32> to vector<16xf32>
        %parallel_loop3A_304 = vector.broadcast %squeeze3A_103 : f32 to vector<16xf32>
        %parallel_loop3A_305 = arith.subf %parallel_loop3A_303, %parallel_loop3A_304 : vector<16xf32>
        %parallel_loop3A_306 = vector.broadcast %squeeze3A_71 : f32 to vector<16xf32>
        %parallel_loop3A_307 = arith.mulf %parallel_loop3A_306, %parallel_loop3A_305 : vector<16xf32>
        %parallel_loop3A_308 = arith.mulf %parallel_loop3A_307, %parallel_loop3A_305 : vector<16xf32>
        %parallel_loop3A_309 = arith.addf %parallel_loop3A_296, %parallel_loop3A_308 : vector<16xf32>
        %parallel_loop3A_310 = arith.constant 16 : i32
        %parallel_loop3A_311 = arith.muli %parallel_loop3A_114, %parallel_loop3A_310 : i32
        %parallel_loop3A_312 = arith.constant 480 : i32
        %parallel_loop3A_313 = arith.addi %parallel_loop3A_312, %parallel_loop3A_311 : i32
        %parallel_loop3A_314 = arith.index_cast %parallel_loop3A_313 : i32 to index
        %parallel_loop3A_315 = tpu.vector_load %arg6[%parallel_loop3A_314] {strides = array<i32>} : memref<512xf32, #tpu.memory_space<vmem>>, vector<16xf32>,
        %parallel_loop3A_316 = vector.shape_cast %parallel_loop3A_315 : vector<16xf32> to vector<16xf32>
        %parallel_loop3A_317 = vector.broadcast %squeeze3A_105 : f32 to vector<16xf32>
        %parallel_loop3A_318 = arith.subf %parallel_loop3A_316, %parallel_loop3A_317 : vector<16xf32>
        %parallel_loop3A_319 = vector.broadcast %squeeze3A_73 : f32 to vector<16xf32>
        %parallel_loop3A_320 = arith.mulf %parallel_loop3A_319, %parallel_loop3A_318 : vector<16xf32>
        %parallel_loop3A_321 = arith.mulf %parallel_loop3A_320, %parallel_loop3A_318 : vector<16xf32>
        %parallel_loop3A_322 = arith.addf %parallel_loop3A_309, %parallel_loop3A_321 : vector<16xf32>
        %parallel_loop3A_323 = math.exp %parallel_loop3A_322 : vector<16xf32>
        %parallel_loop3A_324 = arith.constant 16 : i32
        %parallel_loop3A_325 = arith.muli %parallel_loop3A_114, %parallel_loop3A_324 : i32
        %parallel_loop3A_326 = arith.index_cast %parallel_loop3A_325 : i32 to index
        %parallel_loop3A_327 = tpu.vector_load %arg11[%parallel_loop3A_326] {strides = array<i32>} : memref<32xf32, #tpu.memory_space<vmem>>, vector<16xf32>,
        %parallel_loop3A_328 = vector.shape_cast %parallel_loop3A_327 : vector<16xf32> to vector<16xf32>
        %parallel_loop3A_329 = vector.broadcast %squeeze3A_110 : f32 to vector<16xf32>
        %parallel_loop3A_330 = arith.mulf %parallel_loop3A_329, %parallel_loop3A_323 : vector<16xf32>
        %parallel_loop3A_331 = arith.addf %parallel_loop3A_328, %parallel_loop3A_330 : vector<16xf32>
        %parallel_loop3A_332 = arith.index_cast %parallel_loop3A_325 : i32 to index
        %parallel_loop3A_333 = tpu.vector_load %arg11[%parallel_loop3A_332] {strides = array<i32>} : memref<32xf32, #tpu.memory_space<vmem>>, vector<16xf32>,
        %parallel_loop3A_334 = vector.shape_cast %parallel_loop3A_333 : vector<16xf32> to vector<16xf32>
        %parallel_loop3A_335 = vector.shape_cast %parallel_loop3A_331 : vector<16xf32> to vector<16xf32>
        tpu.vector_store %arg11[%parallel_loop3A_332], %parallel_loop3A_335 {strides = array<i32>} : memref<32xf32, #tpu.memory_space<vmem>>, vector<16xf32>,
        %parallel_loop3A_336 = arith.constant 16 : i32
        %parallel_loop3A_337 = arith.muli %parallel_loop3A_114, %parallel_loop3A_336 : i32
        %parallel_loop3A_338 = arith.index_cast %parallel_loop3A_337 : i32 to index
        %parallel_loop3A_339 = tpu.vector_load %arg12[%parallel_loop3A_338] {strides = array<i32>} : memref<32xf32, #tpu.memory_space<vmem>>, vector<16xf32>,
        %parallel_loop3A_340 = vector.shape_cast %parallel_loop3A_339 : vector<16xf32> to vector<16xf32>
        %parallel_loop3A_341 = arith.addf %parallel_loop3A_340, %parallel_loop3A_323 : vector<16xf32>
        %parallel_loop3A_342 = arith.index_cast %parallel_loop3A_337 : i32 to index
        %parallel_loop3A_343 = tpu.vector_load %arg12[%parallel_loop3A_342] {strides = array<i32>} : memref<32xf32, #tpu.memory_space<vmem>>, vector<16xf32>,
        %parallel_loop3A_344 = vector.shape_cast %parallel_loop3A_343 : vector<16xf32> to vector<16xf32>
        %parallel_loop3A_345 = vector.shape_cast %parallel_loop3A_341 : vector<16xf32> to vector<16xf32>
        tpu.vector_store %arg12[%parallel_loop3A_342], %parallel_loop3A_345 {strides = array<i32>} : memref<32xf32, #tpu.memory_space<vmem>>, vector<16xf32>,
      } {sc.loop_unroll_factor = 2 : i64, sc.parallel_access}
    }
    %scan3A_13 = arith.constant 64 : i32
    %get3A = arith.constant 0 : index
    %get3A_14 = tpu.vector_load %arg11[%get3A] {strides = array<i32>} : memref<32xf32, #tpu.memory_space<vmem>>, vector<16xf32>,
    %get3A_15 = vector.shape_cast %get3A_14 : vector<16xf32> to vector<16xf32>
    %get3A_16 = arith.constant 0 : index
    %get3A_17 = tpu.vector_load %arg12[%get3A_16] {strides = array<i32>} : memref<32xf32, #tpu.memory_space<vmem>>, vector<16xf32>,
    %get3A_18 = vector.shape_cast %get3A_17 : vector<16xf32> to vector<16xf32>
    %div3A = arith.divf %get3A_15, %get3A_18 : vector<16xf32>
    %swap3A = arith.constant 0 : index
    %swap3A_19 = tpu.vector_load %arg10[%swap3A] {strides = array<i32>} : memref<32xf32, #tpu.memory_space<vmem>>, vector<16xf32>,
    %swap3A_20 = vector.shape_cast %swap3A_19 : vector<16xf32> to vector<16xf32>
    %swap3A_21 = vector.shape_cast %div3A : vector<16xf32> to vector<16xf32>
    tpu.vector_store %arg10[%swap3A], %swap3A_21 {strides = array<i32>} : memref<32xf32, #tpu.memory_space<vmem>>, vector<16xf32>,
    %get3A_22 = arith.constant 16 : index
    %get3A_23 = tpu.vector_load %arg11[%get3A_22] {strides = array<i32>} : memref<32xf32, #tpu.memory_space<vmem>>, vector<16xf32>,
    %get3A_24 = vector.shape_cast %get3A_23 : vector<16xf32> to vector<16xf32>
    %get3A_25 = arith.constant 16 : index
    %get3A_26 = tpu.vector_load %arg12[%get3A_25] {strides = array<i32>} : memref<32xf32, #tpu.memory_space<vmem>>, vector<16xf32>,
    %get3A_27 = vector.shape_cast %get3A_26 : vector<16xf32> to vector<16xf32>
    %div3A_28 = arith.divf %get3A_24, %get3A_27 : vector<16xf32>
    %swap3A_29 = arith.constant 16 : index
    %swap3A_30 = tpu.vector_load %arg10[%swap3A_29] {strides = array<i32>} : memref<32xf32, #tpu.memory_space<vmem>>, vector<16xf32>,
    %swap3A_31 = vector.shape_cast %swap3A_30 : vector<16xf32> to vector<16xf32>
    %swap3A_32 = vector.shape_cast %div3A_28 : vector<16xf32> to vector<16xf32>
    tpu.vector_store %arg10[%swap3A_29], %swap3A_32 {strides = array<i32>} : memref<32xf32, #tpu.memory_space<vmem>>, vector<16xf32>,
    "tpu.region"() ({
      %run_scoped3A = tpu.sem_alloc : memref<!tpu.dma_semaphore, #tpu.memory_space<semaphore_mem>>
      %dma_start3A = tpu.memref_slice %arg5[%mul3A_2] : memref<1024xf32, #tpu.memory_space<hbm>> -> memref<32xf32, #tpu.memory_space<hbm>>
      %dma_start3A_33 = tpu.memref_slice %arg5[%mul3A_2] : memref<1024xf32, #tpu.memory_space<hbm>> -> memref<32xf32, #tpu.memory_space<hbm>>
      tpu.enqueue_dma source(%arg10 : memref<32xf32, #tpu.memory_space<vmem>>) target(%dma_start3A_33 : memref<32xf32, #tpu.memory_space<hbm>>) target_semaphore(%run_scoped3A : memref<!tpu.dma_semaphore, #tpu.memory_space<semaphore_mem>>)
      %dma_wait3A = tpu.memref_slice %arg5[%mul3A_2] : memref<1024xf32, #tpu.memory_space<hbm>> -> memref<32xf32, #tpu.memory_space<hbm>>
      %dma_wait3A_34 = tpu.memref_slice %arg5[%mul3A_2] : memref<1024xf32, #tpu.memory_space<hbm>> -> memref<32xf32, #tpu.memory_space<hbm>>
      tpu.wait_dma2 semaphore(%run_scoped3A : memref<!tpu.dma_semaphore, #tpu.memory_space<semaphore_mem>>) src(%arg10 : memref<32xf32, #tpu.memory_space<vmem>>) dst(%dma_wait3A_34 : memref<32xf32, #tpu.memory_space<hbm>>)
      tpu.yield
    }) : () -> ()
    return
  }
}

module attributes {stable_mosaic.version = 14 : i64} {
  func.func @_fls_tc_body(%arg0: memref<3072x16xf32, #tpu.memory_space<vmem>>, %arg1: memref<64x16xf32, #tpu.memory_space<vmem>>, %arg2: memref<64x16xf32, #tpu.memory_space<vmem>>, %arg3: memref<1x64xf32, #tpu.memory_space<vmem>>, %arg4: memref<3072x1xf32, #tpu.memory_space<vmem>>) attributes {dimension_semantics = [], scalar_prefetch = 0 : i64, scratch_operands = 0 : i64, tpu.core_type = #tpu.core_type<tc>} {
    %get3A = arith.constant 0 : index
    %get3A_0 = arith.constant 0 : index
    %get3A_1 = vector.load %arg0[%get3A, %get3A_0] : memref<3072x16xf32, #tpu.memory_space<vmem>>, vector<3072x16xf32>
    %get3A_2 = arith.constant 0 : index
    %get3A_3 = arith.constant 0 : index
    %get3A_4 = vector.load %arg1[%get3A_2, %get3A_3] : memref<64x16xf32, #tpu.memory_space<vmem>>, vector<64x16xf32>
    %get3A_5 = arith.constant 0 : index
    %get3A_6 = arith.constant 0 : index
    %get3A_7 = vector.load %arg2[%get3A_5, %get3A_6] : memref<64x16xf32, #tpu.memory_space<vmem>>, vector<64x16xf32>
    %get3A_8 = arith.constant 0 : index
    %get3A_9 = arith.constant 0 : index
    %get3A_10 = vector.load %arg3[%get3A_8, %get3A_9] : memref<1x64xf32, #tpu.memory_space<vmem>>, vector<1x64xf32>
    %mul3A = arith.mulf %get3A_4, %get3A_4 : vector<64x16xf32>
    %div3A = arith.constant -5.000000e-01 : f32
    %div3A_11 = vector.broadcast %div3A : f32 to vector<64x16xf32>
    %div3A_12 = arith.divf %div3A_11, %mul3A : vector<64x16xf32>
    %mul3A_13 = arith.constant -2.000000e+00 : f32
    %mul3A_14 = vector.broadcast %mul3A_13 : f32 to vector<64x16xf32>
    %mul3A_15 = arith.mulf %mul3A_14, %div3A_12 : vector<64x16xf32>
    %mul3A_16 = arith.mulf %mul3A_15, %get3A_7 : vector<64x16xf32>
    %mul3A_17 = arith.mulf %div3A_12, %get3A_7 : vector<64x16xf32>
    %mul3A_18 = arith.mulf %mul3A_17, %get3A_7 : vector<64x16xf32>
    %reduce_sum3A = arith.constant dense<0.000000e+00> : vector<64xf32>
    %reduce_sum3A_19 = vector.multi_reduction <add>, %mul3A_18, %reduce_sum3A [1] : vector<64x16xf32> to vector<64xf32>
    %concatenate3A = tpu.concatenate %div3A_12, %mul3A_16 in 1 : vector<64x16xf32>, vector<64x16xf32> -> vector<64x32xf32>
    %mul3A_20 = arith.mulf %get3A_1, %get3A_1 : vector<3072x16xf32>
    %concatenate3A_21 = tpu.concatenate %mul3A_20, %get3A_1 in 1 : vector<3072x16xf32>, vector<3072x16xf32> -> vector<3072x32xf32>
    %dot_general3A = arith.constant dense<0.000000e+00> : vector<3072x64xf32>
    %dot_general3A_22 = tpu.matmul %concatenate3A_21, %concatenate3A, %dot_general3A {dimension_numbers = #tpu.dot_dimension_numbers<[1], [1], [0], [0], [0, 0, 1, 0], [], []>, transpose_lhs_hint = false} : vector<3072x32xf32>, vector<64x32xf32>, vector<3072x64xf32> -> vector<3072x64xf32>
    %broadcast_in_dim3A = vector.shape_cast %reduce_sum3A_19 : vector<64xf32> to vector<1x64xf32>
    %add3A = vector.broadcast %broadcast_in_dim3A : vector<1x64xf32> to vector<3072x64xf32>
    %add3A_23 = arith.addf %dot_general3A_22, %add3A : vector<3072x64xf32>
    %exp3A = math.exp %add3A_23 : vector<3072x64xf32>
    %mul3A_24 = vector.broadcast %get3A_10 : vector<1x64xf32> to vector<3072x64xf32>
    %mul3A_25 = arith.mulf %exp3A, %mul3A_24 : vector<3072x64xf32>
    %reduce_sum3A_26 = arith.constant dense<0.000000e+00> : vector<3072xf32>
    %reduce_sum3A_27 = vector.multi_reduction <add>, %mul3A_25, %reduce_sum3A_26 [1] : vector<3072x64xf32> to vector<3072xf32>
    %broadcast_in_dim3A_28 = vector.shape_cast %reduce_sum3A_27 : vector<3072xf32> to vector<3072x1xf32>
    %reduce_sum3A_29 = arith.constant dense<0.000000e+00> : vector<3072xf32>
    %reduce_sum3A_30 = vector.multi_reduction <add>, %exp3A, %reduce_sum3A_29 [1] : vector<3072x64xf32> to vector<3072xf32>
    %broadcast_in_dim3A_31 = vector.shape_cast %reduce_sum3A_30 : vector<3072xf32> to vector<3072x1xf32>
    %div3A_32 = arith.divf %broadcast_in_dim3A_28, %broadcast_in_dim3A_31 : vector<3072x1xf32>
    %swap3A = arith.constant 0 : index
    %swap3A_33 = arith.constant 0 : index
    %swap3A_34 = vector.load %arg4[%swap3A, %swap3A_33] : memref<3072x1xf32, #tpu.memory_space<vmem>>, vector<3072x1xf32>
    tpu.vector_store %arg4[%swap3A, %swap3A_33], %div3A_32 {strides = array<i32>} : memref<3072x1xf32, #tpu.memory_space<vmem>>, vector<3072x1xf32>,
    return
  }
}

</mosaic_0001>

<sc_bundles>
// kernel: kernel.4.cloned.1.call-start
scs
__scs_entry_jumppad:
0x0: {  	(pc) =	sbr.rel $0x88, $3  }
0x1: {  	(tag) =	ssettag $0x0;
	lr =	simm.s32 $0x1  }
0x2: {  	[smem:$0x3F9E] =	sst lr;
	_ =	strace $0xD0000000  }
0x3: {  	_ = 	snop  }
0x4: {  	_ = 	snop  }
0x5: {  	_ = 	snop  }
0x6: {  	_ = 	snop  }
0x7: {  	_ = 	snop  }
__scs_overlays_trampoline_lowered:
0x8: {  	[smem:$0x3FAD] =	sst s0  }
0x9: {  	[smem:$0x3FAE] =	sst s1  }
0xa: {  	[smem:$0x3FAF] =	sst s2  }
0xb: {  	[smem:$0x3FB0] =	sst s3  }
0xc: {  	[smem:$0x3FB1] =	sst s4  }
0xd: {  	[smem:$0x3FB2] =	sst s5  }
0xe: {  	[smem:$0x3FB3] =	sst s6  }
0xf: {  	[smem:$0x3FB4] =	sst s7  }
0x10: {  	[smem:$0x3FB5] =	sst s8  }
0x11: {  	[smem:$0x3FB6] =	sst s9;
	s0 =	simm.s32 @!p0 $0x0  }
0x12: {  	s1 =	sld [smem:$0x3F9C];
	s0 =	simm.s32 @p0 $0x1  }
0x13: {  	[smem:$0x3FB7] =	sst s0;
	s0 =	simm.s32 @!p1 $0x0  }
0x14: {  	s2 =	sld [smem:$0x3F9B];
	s0 =	simm.s32 @p1 $0x1  }
0x15: {  	[smem:$0x3FB8] =	sst s0;
	s0 =	simm.s32 @!p2 $0x0  }
0x16: {  	s3 =	sld [smem:$0x3FDB];
	s0 =	simm.s32 @p2 $0x1  }
0x17: {  	s4 =	simm.s32 $0x1BF5;
	[smem:$0x3FBA] =	sst s0  }
0x18: {  	s0 =	sld [smem:$0x3F9D];
	_ =	swait.ge [sflag:s4], $0x0  }
0x19: {  	s7 =	sld [smem:$0x3F9E]  }
0x1a: {  	s8 =	sadd.s32 $0xFFFFE003, lr  }
0x1b: {  	s9 =	sadd.s32 $0xFFFFFEF7, lr;
	s5 =	simm.s32 $0xFFFFFFFF;
	p2 =	slt.u32 s8, $0xFFFFF086  }
0x1c: {  	p1 =	slt.u32 s9, $0xF7A;
	s5 =	simm.s32 @!p2 $0x0  }
0x1d: {  	s5 =	simm.s32 @p1 $0x1;
	p0 =	seq.s32 s7, s2  }
0x1e: {  	s7 =	smul.u32 @!p0 $0xF7A, s2;
	p2 =	seq.s32 @!p0 s5, $0x0  }
0x1f: {  	s9 =	smul.u32 $0xF7A, s1;
	s8 =	simm.s32 @!p0 $0x1BF5;
	p2 =	por !p2, p0  }
0x20: {  	[sflag:s8] =	ssyncset.s32 @!p0 $0xFFFFF086;
	s6 =	sadd.s32 @!p0 s3, s7;
	s7 =	simm.s32 @!p0 $0x108  }
0x21: {  	s3 =	sadd.s32 s3, s9;
	s6 =	sadd.s32 @!p0 $0x88, s6;
	s7 =	simm.s32 @p2 $0x1082  }
0x22: {  	[simem:s7], [sflag:s8] =	dma.local @!p0 [hbm:s6], $0xF7A  }
0x23: {  	s9 =	sor.u32 $0xD0000000, s2;
	s6 =	simm.s32 $0x108;
	_ =	swait.ge @!p0 [sflag:s8], $0x0  }
0x24: {  	s3 =	sadd.s32 $0x88, s3;
	s6 =	simm.s32 @!p1 $0x1082;
	[sflag:s4] =	ssyncset.s32 $0xFFFFF086  }
0x25: {  	[simem:s6], [sflag:s4] =	dma.local [hbm:s3], $0xF7A  }
0x26: {  	[smem:$0x3F9E] =	sst s1;
	(tag) =	ssettag s2;
	_ =	strace s9  }
0x27: {  	s1 =	sld [smem:$0x3FAE]  }
0x28: {  	s2 =	sld [smem:$0x3FAF]  }
0x29: {  	s4 =	sld [smem:$0x3FB1]  }
0x2a: {  	p0 =	seq.s32 s5, $0x0;
	s5 =	sld [smem:$0x3FB2]  }
0x2b: {  	s6 =	sld [smem:$0x3FB3]  }
0x2c: {  	s7 =	sld [smem:$0x3FB4]  }
0x2d: {  	s3 =	simm.s32 $0x108;
	s8 =	sld [smem:$0x3FB5]  }
0x2e: {  	s3 =	simm.s32 @!p0 $0x1082;
	s9 =	sld [smem:$0x3FB6]  }
0x2f: {  	lr =	sadd.s32 s0, s3;
	s0 =	sld [smem:$0x3FAD]  }
0x30: {  	s3 =	sld [smem:$0x3FB0]  }
0x31: {  	[smem:$0x3FB9] =	sst s10  }
0x32: {  	s10 =	sld [smem:$0x3FB7];
	_ =	sdelay $0x3  }
0x33: {  	p0 =	seq.s32 s10, $0x1;
	s10 =	sld [smem:$0x3FB9];
	_ =	sdelay $0x3  }
0x34: {  	[smem:$0x3FB9] =	sst s10  }
0x35: {  	s10 =	sld [smem:$0x3FB8];
	_ =	sdelay $0x3  }
0x36: {  	p1 =	seq.s32 s10, $0x1;
	s10 =	sld [smem:$0x3FB9];
	_ =	sdelay $0x3  }
0x37: {  	[smem:$0x3FB9] =	sst s10  }
0x38: {  	s10 =	sld [smem:$0x3FBA]  }
0x39: {  	_ = 	snop;
	(pc) =	sbr.ind lr, $3  }
0x3a: {  	_ = 	snop  }
0x3b: {  	_ = 	snop  }
0x3c: {  	p2 =	seq.s32 s10, $0x1;
	s10 =	sld [smem:$0x3FB9]  }
0x3d: {  	_ =	shalt  }
0x3e: {  	_ =	shalt  }
0x3f: {  	_ =	shalt  }
0x40: {  	_ =	shalt  }
0x41: {  	_ =	shalt  }
0x42: {  	_ =	shalt  }
0x43: {  	_ =	shalt  }
0x44: {  	_ =	shalt  }
0x45: {  	_ =	shalt  }
0x46: {  	_ =	shalt  }
0x47: {  	_ =	shalt  }
0x48: {  	_ =	shalt  }
0x49: {  	_ =	shalt  }
0x4a: {  	_ =	shalt  }
0x4b: {  	_ =	shalt  }
0x4c: {  	_ =	shalt  }
0x4d: {  	_ =	shalt  }
0x4e: {  	_ =	shalt  }
0x4f: {  	_ =	shalt  }
0x50: {  	_ =	shalt  }
0x51: {  	_ =	shalt  }
0x52: {  	_ =	shalt  }
0x53: {  	_ =	shalt  }
0x54: {  	_ =	shalt  }
0x55: {  	_ =	shalt  }
0x56: {  	_ =	shalt  }
0x57: {  	_ =	shalt  }
0x58: {  	_ =	shalt  }
0x59: {  	_ =	shalt  }
0x5a: {  	_ =	shalt  }
0x5b: {  	_ =	shalt  }
0x5c: {  	_ =	shalt  }
0x5d: {  	_ =	shalt  }
0x5e: {  	_ =	shalt  }
0x5f: {  	_ =	shalt  }
0x60: {  	_ =	shalt  }
0x61: {  	_ =	shalt  }
0x62: {  	_ =	shalt  }
0x63: {  	_ =	shalt  }
0x64: {  	_ =	shalt  }
0x65: {  	_ =	shalt  }
0x66: {  	_ =	shalt  }
0x67: {  	_ =	shalt  }
0x68: {  	_ =	shalt  }
0x69: {  	_ =	shalt  }
0x6a: {  	_ =	shalt  }
0x6b: {  	_ =	shalt  }
0x6c: {  	_ =	shalt  }
0x6d: {  	_ =	shalt  }
0x6e: {  	_ =	shalt  }
0x6f: {  	_ =	shalt  }
0x70: {  	_ =	shalt  }
0x71: {  	_ =	shalt  }
0x72: {  	_ =	shalt  }
0x73: {  	_ =	shalt  }
0x74: {  	_ =	shalt  }
0x75: {  	_ =	shalt  }
0x76: {  	_ =	shalt  }
0x77: {  	_ =	shalt  }
0x78: {  	_ =	shalt  }
0x79: {  	_ =	shalt  }
0x7a: {  	_ =	shalt  }
0x7b: {  	_ =	shalt  }
0x7c: {  	_ =	shalt  }
0x7d: {  	_ =	shalt  }
0x7e: {  	_ =	shalt  }
0x7f: {  	_ =	shalt  }
0x80: {  	_ =	shalt  }
0x81: {  	_ =	shalt  }
0x82: {  	_ =	shalt  }
0x83: {  	_ =	shalt  }
0x84: {  	_ =	shalt  }
0x85: {  	_ =	shalt  }
0x86: {  	_ =	shalt  }
0x87: {  	_ =	shalt  }
.Lfunc_end0:
.L_simem_size_0:
called_computation_lowered:
.L_overlay_start_0:
0x88: {  	s2 =	sld [smem:$0x3FD9]  }
0x89: {  	s3 =	sld [smem:$0x3FFE];
	_ =	sdelay $0x1  }
0x8a: {  	s1 =	srdreg.scid  }
0x8b: {  	s0 =	sand.u32 $0x1, s1  }
0x8c: {  	s17 =	sshll.u32 s0, $0xA;
	s2 =	sadd.s32 s3, s2  }
0x8d: {  	s2 =	sadd.s32 s2, s17  }
0x8e: {  	[smem:$0x3FC5] =	sst s2  }
0x8f: {  	_ = 	snop  }
0x90: {  	s2 =	sld [smem:$0x3FC8]  }
0x91: {  	s18 =	sld [smem:$0x3FC7];
	(tm) =	ssettm $0x1  }
0x92: {  	s4 =	sld [smem:$0x3FFB];
	_ =	sdelay $0x3  }
0x93: {  	_ =	strace s4  }
0x94: {  	s4 =	sld [smem:$0x3FFC];
	_ =	sdelay $0x3  }
0x95: {  	_ =	strace s4  }
0x96: {  	s4 =	sld [smem:$0x3FFD];
	_ =	sdelay $0x3  }
0x97: {  	_ =	strace s4  }
0x98: {  	_ =	strace $0x8FFFFFFF  }
0x99: {  	s19 =	sld [smem:$0x3FDB];
	_ =	sdelay $0x1  }
0x9a: {  	s5 =	simm.s32 $_scs_section_size  }
0x9b: {  	s6 =	simm.s32 $_size__tile_overlayer_lowered;
	s7 =	simm.s32 $_tile_overlayer_lowered  }
0x9c: {  	s22 =	simm.s32 $0x1BFF;
	s21 =	sshll.u32 s7, $0x1;
	s4 =	sadd.s32 s5, s19  }
0x9d: {  	s8 =	simm.s32 $0x0;
	s20 =	sshll.u32 s6, $0x1;
	s6 =	sadd.s32 s21, s4  }
0x9e: {  	[timem:s8], [sflag:s22] =	dma.local [hbm:s6], s20  }
0x9f: {  	_ =	swait.ge [sflag:s22], s20  }
0xa0: {  	s5 =	ssub.s32 $0x0, s20;
	[sflag:s22] =	ssyncset.done $0x0  }
0xa1: {  	[sflag:s22] =	ssyncadd.s32 s5;
	_ =	sdelay $0x1  }
0xa2: {  	s23 =	simm.s32 $0x1B8B  }
0xa3: {  	_ =	swait.ge [sflag:s23], $0x1  }
0xa4: {  	[sflag:s23] =	ssyncset.done $0x0  }
0xa5: {  	s25 =	simm.s32 $0x1B8E;
	s24 =	sld [smem:$0x3FFE];
	[sflag:s23] =	ssyncadd.s32 $0xFFFFFFFF  }
0xa6: {  	s26 =	simm.s32 $execute0_lowered;
	[smem:$0x3FD2] =	sst s25  }
0xa7: {  	s6 =	sshll.u32 s26, $0x1;
	_ =	strace $0x80000046;
	[dreg:$0x1] =	wrdreg $0xFFFFFFFF  }
0xa8: {  	s28 =	simm.s32 $_size_execute0_lowered;
	s4 =	sadd.s32 s4, s6;
	[dreg:$0x0] =	wrdreg $0x0  }
0xa9: {  	s6 =	sshll.u32 s28, $0x1;
	[dreg:$0x2] =	wrdreg s4  }
0xaa: {  	[dreg:$0x3] =	wrdreg s6  }
0xab: {  	[dreg:$0x4] =	wrdreg $0xC0  }
0xac: {  	_ =	task [dreg:s8], $0x5FFFF  }
0xad: {  	[dreg:$0x1] =	wrdreg $0xFFFFFFFF  }
0xae: {  	[dreg:$0x0] =	wrdreg $0x60  }
0xaf: {  	[dreg:$0x2] =	wrdreg s24  }
0xb0: {  	[dreg:$0x3] =	wrdreg s2  }
0xb1: {  	[dreg:$0x4] =	wrdreg s18  }
0xb2: {  	[dreg:$0x5] =	wrdreg $0x9  }
0xb3: {  	_ =	task.clear_ibuf [dreg:s8], $0x6FFFF;
	_ =	strace $0x90000046  }
0xb4: {  	s29 =	simm.s32 $0x9;
	_ =	strace $0x80000048  }
0xb5: {  	_ =	swait.ge [sflag:s29], $0x1  }
0xb6: {  	[sflag:s29] =	ssyncadd.s32 $0xFFFFFFFF  }
0xb7: {  	_ =	strace $0x90000048  }
0xb8: {  	_ =	sfence  }
0xb9: {  	s30 =	sld [smem:$0x0];
	_ =	sdelay $0x2  }
0xba: {  	s31 =	sshll.u32 s1, $0xD;
	s1 =	sshrl.u32 s1, $0x2  }
0xbb: {  	s3 =	sand.u32 $0x4000, s31;
	s1 =	sadd.s32 s1, s30  }
0xbc: {  	s0 =	sor.u32 s3, s0;
	s1 =	sshll.u32 s1, $0x11  }
0xbd: {  	s0 =	sor.u32 s1, s0  }
0xbe: {  	s0 =	sadd.s32 $0x8F2B, s0  }
0xbf: {  	[sflag:s0] =	ssyncadd.remote.s32 $0x1  }
0xc0: {  	_ =	sfence.sel $0xFFFF  }
0xc1: {  	[dreg:$0x0] =	wrdreg $0xFFFFFFFF;
	(pc) =	sbr.abs _section_cstart, $3  }
0xc2: {  	[dreg:$0x1] =	wrdreg $0xFFFFFFFF  }
0xc3: {  	_ =	task.clear_ibuf [dreg:s8], $0x2FFFF;
	_ =	strace $0x9FFFFFFF  }
0xc4: {  	(tm) =	ssettm $0x7FFFFFFF  }
0xc5: {  	_ =	shalt  }
tec
execute0_lowered:
.L_overlay_start_1:
0x0: {  	(tag) =	ssettag $0x1  }
0x1: {  	s5 =	rddreg [dreg:$0x0]  }
0x2: {  	s2 =	rddreg [dreg:$0x1]  }
0x3: {  	s3 =	rddreg [dreg:$0x2]  }
0x4: {  	s0 =	rddreg [dreg:$0x3]  }
0x5: {  	s1 =	stileid.u32;
	s6 =	srdreg.scid  }
0x6: {  	s4 =	simm.s32 $0x0;
	s11 =	simm.s32 $0x200;
	s12 =	simm.s32 $0xA00  }
0x7: {  	s13 =	simm.s32 $0xE80;
	s14 =	simm.s32 $0x0;
	s6 =	sand.u32 $0x1, s6  }
0x8: {  	s7 =	sshll.u32 s1, $0x1;
	[smem:$0x7FF] =	sst s4;
	s8 =	sshll.u32 s1, $0x7  }
0x9: {  	s7 =	sor.u32 s6, s7;
	_ =	strace $0x80000047;
	s8 =	sand.u32 $0x600, s8  }
0xa: {  	s6 =	ssub.s32 $0x2, s6;
	s9 =	sshll.u32 s7, $0x4;
	s8 =	sadd.s32 s8, s5  }
0xb: {  	s7 =	sshll.u32 s7, $0x2;
	s10 =	sshrl.u32 s6, $0x1;
	s9 =	sand.u32 $0x70, s9  }
0xc: {  	s7 =	sadd.s32 s7, s5;
	s31 =	ssub.s32 s6, s10;
	s10 =	simm.s32 $0x1  }
0xd: {  	s8 =	sadd.s32 s9, s8;
	s6 =	sadd.s32 $0x1200, s7;
	s7 =	smax.u32 s31, $0x1  }
0xe: {  	v0 =	vimm.f32 $0.0e+00;
	s9 =	simm.s32 $0x400;
	s5 =	sadd.s32 $0xA00, s8;
	s8 =	simm.s32 $0x80  }
.LBB2_1:
0xf: {  	[tilespmem:s4], [sflag:$0x1] =	stream.strided.gather [hbm4b:s5+s8], $0x200, s9, s8, $0x38;
	[tilespmem:$0x1000] =	vst v63  }
0x10: {  	_ =	swait.ge [sflag:s10], $0x200  }
0x11: {  	[sflag:s10] =	ssyncset.done $0x0  }
0x12: {  	[sflag:s10] =	ssyncadd.s32 $0xFFFFFE00  }
0x13: {  	[tilespmem:s11], [sflag:$0x1] =	stream.linear.gather [hbm4b:s2+s4], $0x800, $0x38;
	[tilespmem:$0x1000] =	vst v63  }
0x14: {  	_ =	swait.ge [sflag:s10], $0x800  }
0x15: {  	[sflag:s10] =	ssyncset.done $0x0  }
0x16: {  	[sflag:s10] =	ssyncadd.s32 $0xFFFFF800  }
0x17: {  	[tilespmem:s12], [sflag:$0x1] =	stream.linear.gather [hbm4b:s3+s4], $0x40, $0x38;
	[tilespmem:$0x1000] =	vst v63  }
0x18: {  	_ =	swait.ge [sflag:s10], $0x40  }
0x19: {  	[sflag:s10] =	ssyncset.done $0x0  }
0x1a: {  	s15 =	simm.s32 $0x0;
	[sflag:s10] =	ssyncadd.s32 $0xFFFFFFC0  }
0x1b: {  	v1 =	vld [tilespmem:s15+$0x200];
	_ =	sdelay $0x4  }
0x1c: {  	v1 =	vmul.f32 v1, v1  }
0x1d: {  	s16 =	simm.s32 $0x10  }
0x1e: {  	(erf) = vrcp.f32 v1;
	v1 =	vld [tilespmem:s16+$0x200];
	_ =	sdelay $0x4  }
0x1f: {  	s17 =	simm.s32 $0x20;
	v2 =	vmul.f32 v1, v1  }
0x20: {  	v1 =	vld [tilespmem:s17+$0x200]  }
0x21: {  	(erf) = vrcp.f32 v2;
	_ =	sdelay $0x2  }
0x22: {  	s18 =	simm.s32 $0xC0;
	v2 =	vpop (erf)  }
.LBB2_2:
0x23: {  	s19 =	sshra.s32 s18, $0x2;
	p0 =	sne.s32 s18, $0xFC0;
	s18 =	sadd.s32 $0x40, s18;
	v3 =	vmul.f32 v1, v1;
	v2 =	vmul.f32 $-5.000000000e-01, v2  }
.Ltmp0:
0x24: {  	v1 =	vld [tilespmem:s19+$0x200];
	(pc) =	sbr.rel @p0 .LBB2_2-.Ltmp0, $3  }
0x25: {  	(erf) = vrcp.f32 v3;
	[tilespmem:s15+$0xA80] =	vst v2;
	s15 =	smov.u32 s16;
	s16 =	smov.u32 s17;
	s17 =	smov.u32 s19  }
0x26: {  	_ =	sdelay $0x1  }
0x27: {  	v2 =	vpop (erf)  }
0x28: {  	v1 =	vmul.f32 v1, v1;
	_ =	sdelay $0x1  }
0x29: {  	(erf) = vrcp.f32 v1;
	_ =	sdelay $0x7  }
0x2a: {  	v1 =	vmul.f32 $-5.000000000e-01, v2;
	v2 =	vpop (erf)  }
0x2b: {  	v2 =	vmul.f32 $-5.000000000e-01, v2;
	v3 =	vpop (erf)  }
0x2c: {  	[tilespmem:s15+$0xA80] =	vst v1;
	v1 =	vmul.f32 $-5.000000000e-01, v3  }
0x2d: {  	[tilespmem:s16+$0xA80] =	vst v2  }
0x2e: {  	[tilespmem:s17+$0xA80] =	vst v1  }
0x2f: {  	[tilespmem:$0xF00] =	vst v0  }
0x30: {  	[tilespmem:$0xF80] =	vst v0  }
0x31: {  	[tilespmem:$0xF10] =	vst v0  }
0x32: {  	s31 =	simm.s32 $0x0;
	[tilespmem:$0xF90] =	vst v0  }
0x33: {  	v1 =	vld [tilespmem:s31+$0xA80];
	_ =	sdelay $0x1  }
0x34: {  	v2 =	vld [tilespmem:s31+$0x201];
	_ =	sdelay $0x1  }
0x35: {  	v3 =	vld [tilespmem:$0x0]  }
0x36: {  	v5 =	vld [tilespmem:$0x40];
	v8 =	vbroadcast v1, $0x1  }
0x37: {  	v6 =	vld [tilespmem:$0x60];
	v9 =	vbroadcast v1, $0x3;
	v10 =	vbroadcast v1, $0x0  }
0x38: {  	v7 =	vld [tilespmem:$0x70];
	v11 =	vbroadcast v2, $0xD;
	v14 =	vbroadcast v2, $0x3  }
0x39: {  	v12 =	vld [tilespmem:$0xD0];
	v15 =	vbroadcast v2, $0xC;
	v16 =	vbroadcast v1, $0x5  }
0x3a: {  	v13 =	vld [tilespmem:$0x20];
	v18 =	vbroadcast v2, $0x6;
	v20 =	vbroadcast v2, $0x4  }
0x3b: {  	v17 =	vld [tilespmem:$0xC0];
	v21 =	vbroadcast v1, $0x4;
	v23 =	vbroadcast v2, $0x1  }
0x3c: {  	v19 =	vld [tilespmem:$0x90];
	v24 =	vbroadcast v2, $0x2;
	v25 =	vbroadcast v2, $0x5  }
0x3d: {  	v26 =	vld [tilespmem:$0xE0];
	v29 =	vbroadcast v2, $0x0;
	v33 =	vbroadcast v2, $0x7  }
0x3e: {  	v30 =	vld [tilespmem:$0xF0];
	v35 =	vbroadcast v2, $0xB;
	v60 =	vbroadcast v1, $0x7  }
0x3f: {  	v31 =	vld [tilespmem:$0x50];
	v41 =	vbroadcast v2, $0x8;
	v6 =	vsub.f32 v6, v14;
	v7 =	vsub.f32 v7, v14  }
0x40: {  	v34 =	vld [tilespmem:$0x80];
	v42 =	vbroadcast v1, $0x8;
	v12 =	vsub.f32 v12, v18;
	v13 =	vsub.f32 v13, v23  }
0x41: {  	v37 =	vld [tilespmem:$0x110];
	v14 =	vbroadcast v1, $0x2;
	v5 =	vsub.f32 v5, v24;
	v17 =	vsub.f32 v17, v18  }
0x42: {  	v38 =	vld [tilespmem:$0x100];
	v18 =	vbroadcast v1, $0x6;
	v19 =	vsub.f32 v19, v20;
	v3 =	vsub.f32 v3, v29  }
0x43: {  	v59 =	vsub.f32 v26, v33;
	v30 =	vsub.f32 v30, v33;
	v28 =	vmul.f32 v6, v9  }
0x44: {  	v24 =	vsub.f32 v31, v24;
	v32 =	vmul.f32 v5, v14;
	v36 =	vmul.f32 v19, v21  }
0x45: {  	v20 =	vsub.f32 v34, v20;
	v39 =	vmul.f32 v17, v18;
	v62 =	vmul.f32 v3, v10  }
0x46: {  	v22 =	vld [tilespmem:$0x30];
	v46 =	vsub.f32 v37, v41;
	v40 =	vmul.f32 v59, v60;
	v26 =	vmul.f32 v30, v60  }
0x47: {  	v27 =	vld [tilespmem:$0x10];
	v47 =	vsub.f32 v38, v41;
	v14 =	vmul.f32 v24, v14;
	v21 =	vmul.f32 v20, v21  }
0x48: {  	v9 =	vmul.f32 v7, v9;
	v37 =	vmul.f32 v46, v42  }
0x49: {  	v61 =	vld [tilespmem:$0xA0];
	v49 =	vmul.f32 v13, v8;
	v53 =	vmul.f32 v47, v42  }
0x4a: {  	v60 =	vbroadcast v2, $0xA;
	v28 =	vmul.f32 v28, v6  }
0x4b: {  	v63 =	vld [tilespmem:$0xB0];
	v22 =	vsub.f32 v22, v23;
	v23 =	vmul.f32 v40, v59;
	v19 =	vmul.f32 v36, v19  }
0x4c: {  	v6 =	vsub.f32 v27, v29;
	v3 =	vmul.f32 v62, v3;
	v5 =	vmul.f32 v32, v5  }
0x4d: {  	v51 =	vmul.f32 v37, v46;
	v13 =	vmul.f32 v49, v13  }
0x4e: {  	v45 =	vld [tilespmem:$0x160];
	v27 =	vsub.f32 v61, v25;
	v26 =	vmul.f32 v26, v30;
	v10 =	vmul.f32 v6, v10  }
0x4f: {  	v52 =	vld [tilespmem:$0x190];
	v14 =	vmul.f32 v14, v24;
	v20 =	vmul.f32 v21, v20;
	v3 =	vadd.f32 $0.0e+00, v3  }
0x50: {  	v50 =	vld [tilespmem:$0x170];
	v25 =	vsub.f32 v63, v25;
	v59 =	vbroadcast v2, $0x9;
	v6 =	vmul.f32 v10, v6  }
0x51: {  	v62 =	vbroadcast v1, $0x9;
	v3 =	vadd.f32 v13, v3;
	v10 =	vmul.f32 v27, v16  }
0x52: {  	v54 =	vld [tilespmem:$0x180];
	v13 =	vmul.f32 v12, v18;
	v18 =	vadd.f32 $0.0e+00, v6;
	v6 =	vmul.f32 v22, v8  }
0x53: {  	v31 =	vsub.f32 v45, v35;
	v16 =	vmul.f32 v25, v16;
	v8 =	vmul.f32 v9, v7  }
0x54: {  	v4 =	vld [tilespmem:$0x1B0];
	v56 =	vsub.f32 v52, v15;
	v7 =	vbroadcast v1, $0xB;
	v55 =	vmul.f32 v6, v22  }
0x55: {  	v9 =	vsub.f32 v50, v35;
	v27 =	vmul.f32 v10, v27;
	v3 =	vadd.f32 v5, v3  }
0x56: {  	v48 =	vld [tilespmem:$0x1A0];
	v5 =	vbroadcast v1, $0xC;
	v12 =	vmul.f32 v13, v12;
	v10 =	vadd.f32 v55, v18  }
0x57: {  	v57 =	vmul.f32 v31, v7;
	v6 =	vsub.f32 v54, v15;
	v15 =	vmul.f32 v9, v7  }
0x58: {  	v3 =	vadd.f32 v28, v3;
	v13 =	vmul.f32 v56, v5;
	v14 =	vadd.f32 v14, v10  }
0x59: {  	v58 =	vld [tilespmem:$0x150];
	v4 =	vsub.f32 v4, v11;
	v9 =	vmul.f32 v15, v9;
	v15 =	vmul.f32 v16, v25  }
0x5a: {  	v16 =	vmul.f32 v39, v17;
	v17 =	vld [tilespmem:$0x120];
	v3 =	vadd.f32 v20, v3;
	v8 =	vadd.f32 v8, v14  }
0x5b: {  	v11 =	vsub.f32 v48, v11;
	v18 =	vbroadcast v1, $0xD;
	v10 =	vmul.f32 v6, v5;
	v5 =	vld [tilespmem:$0x130]  }
0x5c: {  	v7 =	vmul.f32 v57, v31;
	v3 =	vadd.f32 v27, v3;
	v8 =	vadd.f32 v19, v8  }
0x5d: {  	v13 =	vmul.f32 v13, v56;
	v61 =	vmul.f32 v11, v18;
	v19 =	vld [tilespmem:$0x140]  }
0x5e: {  	v18 =	vmul.f32 v4, v18;
	v3 =	vadd.f32 v16, v3;
	v15 =	vadd.f32 v15, v8  }
0x5f: {  	v14 =	vmul.f32 v53, v47;
	v16 =	vsub.f32 v58, v60;
	v17 =	vsub.f32 v17, v59  }
0x60: {  	v5 =	vsub.f32 v5, v59;
	v8 =	vmul.f32 v18, v4;
	v12 =	vadd.f32 v12, v15  }
0x61: {  	v3 =	vadd.f32 v23, v3;
	v4 =	vbroadcast v1, $0xA;
	v15 =	vmul.f32 v17, v62  }
0x62: {  	v18 =	vsub.f32 v19, v60;
	v19 =	vmul.f32 v5, v62;
	v12 =	vadd.f32 v26, v12  }
0x63: {  	v3 =	vadd.f32 v14, v3;
	v14 =	vmul.f32 v15, v17;
	v15 =	vmul.f32 v16, v4  }
0x64: {  	v17 =	vmul.f32 v18, v4;
	v19 =	vmul.f32 v19, v5;
	v4 =	vld [tilespmem:$0x1F0];
	v63 =	vadd.f32 v51, v12  }
0x65: {  	v11 =	vmul.f32 v61, v11;
	v5 =	vld [tilespmem:$0x1D0];
	v14 =	vadd.f32 v14, v3;
	v3 =	vbroadcast v2, $0xE  }
0x66: {  	s15 =	simm.s32 $0xA00;
	s16 =	simm.s32 $0xA00;
	s17 =	simm.s32 $0x40;
	v15 =	vmul.f32 v15, v16;
	v12 =	vld [tilespmem:$0x1C0];
	v16 =	vmul.f32 v17, v18;
	v17 =	vadd.f32 v19, v63  }
.LBB2_4:
0x67: {  	p0 =	sne.s32 s17, $0xFC0  }
0x68: {  	v2 =	vbroadcast v2, $0xF;
	s16 =	sadd.s32 $0x1, s16;
	s18 =	smov.u32 s17;
	s17 =	sadd.s32 $0x40, s17  }
0x69: {  	v18 =	vld [tilespmem:$0x1E0];
	v15 =	vadd.f32 v15, v17  }
0x6a: {  	v14 =	vadd.f32 v16, v14;
	v16 =	vbroadcast v1, $0xF;
	v4 =	vsub.f32 v4, v2  }
0x6b: {  	v1 =	vbroadcast v1, $0xE;
	v9 =	vadd.f32 v9, v15;
	v5 =	vsub.f32 v5, v3  }
0x6c: {  	v6 =	vmul.f32 v10, v6;
	v7 =	vadd.f32 v7, v14;
	v3 =	vsub.f32 v12, v3  }
0x6d: {  	v12 =	vmul.f32 v4, v16;
	v9 =	vadd.f32 v13, v9;
	v10 =	vmul.f32 v5, v1  }
0x6e: {  	v6 =	vadd.f32 v6, v7;
	v1 =	vmul.f32 v3, v1;
	v2 =	vsub.f32 v18, v2  }
0x6f: {  	v4 =	vmul.f32 v12, v4;
	v7 =	vadd.f32 v8, v9;
	v5 =	vmul.f32 v10, v5  }
0x70: {  	v6 =	vadd.f32 v11, v6;
	v1 =	vmul.f32 v1, v3;
	v3 =	vmul.f32 v2, v16  }
0x71: {  	v5 =	vadd.f32 v5, v7  }
0x72: {  	v1 =	vadd.f32 v1, v6;
	v2 =	vmul.f32 v3, v2  }
0x73: {  	v3 =	vadd.f32 v4, v5  }
0x74: {  	v1 =	vadd.f32 v2, v1  }
0x75: {  	v2 =	vmul.f32 $1.442695020e+00, v3  }
0x76: {  	v1 =	vmul.f32 $1.442695020e+00, v1  }
0x77: {  	v7 =	vld [tilespmem:$0xF00];
	(erf) = vpow2.f32 v2  }
0x78: {  	v2 =	vld.msk [tilespmem:s15+$0x0 ss:$0x0], $0xffff;
	(erf) = vpow2.f32 v1;
	s15 =	smov.u32 s16  }
0x79: {  	v6 =	vld [tilespmem:$0x160]  }
0x7a: {  	v3 =	vld [tilespmem:$0x150]  }
0x7b: {  	s18 =	sshra.s32 s18, $0x2;
	v9 =	vld [tilespmem:$0x50]  }
0x7c: {  	v1 =	vld [tilespmem:$0xF90]  }
0x7d: {  	v8 =	vld [tilespmem:$0xF80]  }
0x7e: {  	v10 =	vld [tilespmem:$0xF10]  }
0x7f: {  	v4 =	vld [tilespmem:$0x140]  }
0x80: {  	v5 =	vld [tilespmem:$0x130];
	v11 =	vpop (erf)  }
0x81: {  	v12 =	vld [tilespmem:$0x10];
	v13 =	vmul.f32 v11, v2;
	v1 =	vadd.f32 v11, v1;
	v11 =	vpop (erf)  }
0x82: {  	v14 =	vld [tilespmem:$0x0];
	v2 =	vmul.f32 v11, v2;
	v8 =	vadd.f32 v11, v8  }
0x83: {  	v10 =	vadd.f32 v13, v10;
	[tilespmem:$0xF90] =	vst v1  }
0x84: {  	v11 =	vld [tilespmem:$0x1B0];
	v1 =	vadd.f32 v2, v7;
	[tilespmem:$0xF80] =	vst v8  }
0x85: {  	v7 =	vld [tilespmem:$0x40];
	[tilespmem:$0xF10] =	vst v10  }
0x86: {  	v10 =	vld [tilespmem:$0x70];
	[tilespmem:$0xF00] =	vst v1  }
0x87: {  	v1 =	vld [tilespmem:s18+$0xA80]  }
0x88: {  	v2 =	vld [tilespmem:s18+$0x201]  }
0x89: {  	v13 =	vld [tilespmem:$0x60]  }
0x8a: {  	v15 =	vld [tilespmem:$0xB0]  }
0x8b: {  	v16 =	vld [tilespmem:$0x90]  }
0x8c: {  	v17 =	vbroadcast v1, $0x1;
	v18 =	vbroadcast v1, $0x3;
	v19 =	vld [tilespmem:$0xA0]  }
0x8d: {  	v20 =	vbroadcast v1, $0x0;
	v21 =	vbroadcast v2, $0xD;
	v22 =	vld [tilespmem:$0xD0]  }
0x8e: {  	v24 =	vbroadcast v2, $0x3;
	v25 =	vbroadcast v2, $0xC;
	v23 =	vld [tilespmem:$0x20]  }
0x8f: {  	v26 =	vbroadcast v1, $0x5;
	v28 =	vbroadcast v2, $0x6;
	v27 =	vld [tilespmem:$0xC0];
	v8 =	vsub.f32 v11, v21  }
0x90: {  	v29 =	vbroadcast v1, $0x4;
	v11 =	vsub.f32 v13, v24;
	v13 =	vbroadcast v2, $0x4;
	v30 =	vld [tilespmem:$0x30]  }
0x91: {  	v31 =	vbroadcast v2, $0x1;
	v32 =	vbroadcast v2, $0x2;
	v10 =	vsub.f32 v10, v24;
	v24 =	vld [tilespmem:$0x170]  }
0x92: {  	v33 =	vbroadcast v1, $0x2;
	v34 =	vbroadcast v2, $0x5;
	v35 =	vld [tilespmem:$0xE0];
	v22 =	vsub.f32 v22, v28  }
0x93: {  	v7 =	vsub.f32 v7, v32;
	v36 =	vmul.f32 v11, v18;
	v23 =	vsub.f32 v23, v31  }
0x94: {  	v37 =	vbroadcast v2, $0x0;
	v27 =	vsub.f32 v27, v28;
	v28 =	vbroadcast v1, $0x6;
	v38 =	vld [tilespmem:$0xF0]  }
0x95: {  	v40 =	vbroadcast v2, $0x7;
	v39 =	vmul.f32 v7, v33;
	v16 =	vsub.f32 v16, v13;
	v41 =	vld [tilespmem:$0x100]  }
0x96: {  	v43 =	vbroadcast v2, $0xB;
	v14 =	vsub.f32 v14, v37;
	v30 =	vsub.f32 v30, v31;
	v42 =	vld [tilespmem:$0x80]  }
0x97: {  	v44 =	vmul.f32 v16, v29;
	v31 =	vsub.f32 v35, v40;
	v35 =	vbroadcast v1, $0x7;
	v45 =	vld [tilespmem:$0x110]  }
0x98: {  	v12 =	vsub.f32 v12, v37;
	v11 =	vmul.f32 v36, v11;
	v36 =	vmul.f32 v27, v28  }
0x99: {  	v37 =	vmul.f32 v14, v20;
	v46 =	vmul.f32 v31, v35;
	v38 =	vsub.f32 v38, v40  }
0x9a: {  	v47 =	vbroadcast v1, $0x8;
	v9 =	vsub.f32 v9, v32;
	v40 =	vbroadcast v2, $0x8  }
0x9b: {  	v13 =	vsub.f32 v42, v13;
	v31 =	vmul.f32 v46, v31;
	v32 =	vmul.f32 v38, v35  }
0x9c: {  	v33 =	vmul.f32 v9, v33;
	v16 =	vmul.f32 v44, v16;
	v35 =	vsub.f32 v45, v40  }
0x9d: {  	v14 =	vmul.f32 v37, v14;
	v37 =	vsub.f32 v41, v40;
	v29 =	vmul.f32 v13, v29;
	v40 =	vld [tilespmem:$0x1A0]  }
0x9e: {  	v19 =	vsub.f32 v19, v34;
	v18 =	vmul.f32 v10, v18;
	v41 =	vmul.f32 v35, v47  }
0x9f: {  	v15 =	vsub.f32 v15, v34;
	v7 =	vmul.f32 v39, v7;
	v42 =	vmul.f32 v23, v17  }
0xa0: {  	v34 =	vsub.f32 v6, v43;
	v6 =	vmul.f32 v12, v20;
	v20 =	vmul.f32 v41, v35  }
0xa1: {  	v14 =	vadd.f32 $0.0e+00, v14;
	v23 =	vmul.f32 v42, v23;
	v32 =	vmul.f32 v32, v38;
	v35 =	vld [tilespmem:$0x190]  }
0xa2: {  	v6 =	vmul.f32 v6, v12;
	v38 =	vmul.f32 v37, v47;
	v39 =	vld [tilespmem:$0x180];
	v21 =	vsub.f32 v40, v21  }
0xa3: {  	v12 =	vadd.f32 v23, v14;
	v14 =	vmul.f32 v19, v26;
	v23 =	vmul.f32 v22, v28  }
0xa4: {  	v28 =	vadd.f32 $0.0e+00, v6;
	v6 =	vmul.f32 v30, v17;
	v17 =	vmul.f32 v18, v10  }
0xa5: {  	v10 =	vbroadcast v1, $0xB;
	v18 =	vmul.f32 v33, v9;
	v9 =	vsub.f32 v24, v43  }
0xa6: {  	v13 =	vmul.f32 v29, v13;
	v24 =	vmul.f32 v6, v30;
	v29 =	vsub.f32 v35, v25  }
0xa7: {  	v30 =	vmul.f32 v34, v10;
	v10 =	vmul.f32 v9, v10;
	v6 =	vsub.f32 v39, v25  }
0xa8: {  	v14 =	vmul.f32 v14, v19;
	v19 =	vadd.f32 v24, v28;
	v24 =	vmul.f32 v15, v26  }
0xa9: {  	v12 =	vadd.f32 v7, v12;
	v7 =	vmul.f32 v30, v34;
	v9 =	vmul.f32 v10, v9  }
0xaa: {  	v18 =	vadd.f32 v18, v19;
	v15 =	vmul.f32 v24, v15;
	v25 =	vbroadcast v1, $0xC  }
0xab: {  	v22 =	vmul.f32 v23, v22;
	v11 =	vadd.f32 v11, v12;
	v12 =	vmul.f32 v36, v27;
	v19 =	vld [tilespmem:$0x120]  }
0xac: {  	v17 =	vadd.f32 v17, v18;
	v10 =	vmul.f32 v6, v25;
	v18 =	vmul.f32 v29, v25  }
0xad: {  	v23 =	vbroadcast v1, $0xD;
	v11 =	vadd.f32 v13, v11;
	v13 =	vmul.f32 v38, v37  }
0xae: {  	v24 =	vbroadcast v2, $0x9;
	v25 =	vbroadcast v2, $0xA;
	v16 =	vadd.f32 v16, v17  }
0xaf: {  	v11 =	vadd.f32 v14, v11;
	v14 =	vmul.f32 v21, v23;
	v17 =	vmul.f32 v8, v23  }
0xb0: {  	v23 =	vbroadcast v1, $0x9;
	v15 =	vadd.f32 v15, v16;
	v19 =	vsub.f32 v19, v24  }
0xb1: {  	v12 =	vadd.f32 v12, v11;
	v11 =	vmul.f32 v14, v21;
	v8 =	vmul.f32 v17, v8  }
0xb2: {  	v5 =	vsub.f32 v5, v24;
	v14 =	vbroadcast v1, $0xA;
	v15 =	vadd.f32 v22, v15  }
0xb3: {  	v12 =	vadd.f32 v31, v12;
	v17 =	vsub.f32 v3, v25;
	v16 =	vmul.f32 v19, v23  }
.Ltmp1:
0xb4: {  	v21 =	vsub.f32 v4, v25;
	v4 =	vmul.f32 v5, v23;
	v3 =	vadd.f32 v32, v15;
	(pc) =	sbr.rel @p0 .LBB2_4-.Ltmp1, $4  }
0xb5: {  	v12 =	vadd.f32 v13, v12;
	v15 =	vmul.f32 v17, v14;
	v13 =	vmul.f32 v16, v19  }
0xb6: {  	v16 =	vmul.f32 v21, v14;
	v19 =	vadd.f32 v20, v3;
	v20 =	vmul.f32 v4, v5;
	v4 =	vld [tilespmem:$0x1F0]  }
0xb7: {  	v15 =	vmul.f32 v15, v17;
	v3 =	vbroadcast v2, $0xE;
	v14 =	vadd.f32 v13, v12;
	v5 =	vld [tilespmem:$0x1D0]  }
0xb8: {  	v16 =	vmul.f32 v16, v21;
	v17 =	vadd.f32 v20, v19;
	v13 =	vmul.f32 v18, v29;
	v12 =	vld [tilespmem:$0x1C0]  }
0xb9: {  	_ = 	snop  }
0xba: {  	v18 =	vld [tilespmem:$0x1E0];
	v15 =	vadd.f32 v15, v17  }
0xbb: {  	v2 =	vbroadcast v2, $0xF;
	v57 =	vbroadcast v1, $0xF;
	v14 =	vadd.f32 v16, v14  }
0xbc: {  	v1 =	vbroadcast v1, $0xE;
	v9 =	vadd.f32 v9, v15;
	v5 =	vsub.f32 v5, v3  }
0xbd: {  	v6 =	vmul.f32 v10, v6;
	v7 =	vadd.f32 v7, v14;
	v3 =	vsub.f32 v12, v3  }
0xbe: {  	v4 =	vsub.f32 v4, v2;
	v9 =	vadd.f32 v13, v9;
	v58 =	vmul.f32 v5, v1  }
0xbf: {  	v6 =	vadd.f32 v6, v7;
	v2 =	vsub.f32 v18, v2;
	v1 =	vmul.f32 v3, v1  }
0xc0: {  	v59 =	vmul.f32 v4, v57;
	v8 =	vadd.f32 v8, v9;
	v5 =	vmul.f32 v58, v5  }
0xc1: {  	v6 =	vadd.f32 v11, v6;
	v1 =	vmul.f32 v1, v3;
	v3 =	vmul.f32 v2, v57  }
0xc2: {  	v4 =	vmul.f32 v59, v4;
	v5 =	vadd.f32 v5, v8  }
0xc3: {  	v1 =	vadd.f32 v1, v6;
	v2 =	vmul.f32 v3, v2  }
0xc4: {  	v3 =	vadd.f32 v4, v5  }
0xc5: {  	v1 =	vadd.f32 v2, v1  }
0xc6: {  	v2 =	vmul.f32 $1.442695020e+00, v3  }
0xc7: {  	v1 =	vmul.f32 $1.442695020e+00, v1  }
0xc8: {  	(erf) = vpow2.f32 v2  }
0xc9: {  	(erf) = vpow2.f32 v1;
	_ =	sdelay $0x4  }
0xca: {  	v1 =	vld [tilespmem:$0xF80]  }
0xcb: {  	v2 =	vld [tilespmem:$0xF90];
	_ =	sdelay $0x1  }
0xcc: {  	v3 =	vpop (erf)  }
0xcd: {  	v60 =	vpop (erf)  }
0xce: {  	v1 =	vadd.f32 v60, v1  }
0xcf: {  	v2 =	vadd.f32 v3, v2  }
0xd0: {  	v61 =	vld.msk [tilespmem:s15+$0x0 ss:$0x0], $0xffff;
	[tilespmem:$0xF80] =	vst v1  }
0xd1: {  	[tilespmem:$0xF90] =	vst v2;
	v1 =	vld [tilespmem:$0xF80]  }
0xd2: {  	v2 =	vld [tilespmem:$0xF90]  }
0xd3: {  	v62 =	vld [tilespmem:$0xF00]  }
0xd4: {  	v63 =	vld [tilespmem:$0xF10];
	_ =	sdelay $0x1  }
0xd5: {  	v4 =	vmul.f32 v60, v61;
	(erf) = vrcp.f32 v1  }
0xd6: {  	v1 =	vmul.f32 v3, v61;
	(erf) = vrcp.f32 v2  }
0xd7: {  	v2 =	vadd.f32 v4, v62  }
0xd8: {  	v1 =	vadd.f32 v1, v63  }
0xd9: {  	[tilespmem:$0xF00] =	vst v2  }
0xda: {  	[tilespmem:$0xF10] =	vst v1;
	v1 =	vld [tilespmem:$0xF00]  }
0xdb: {  	v2 =	vld [tilespmem:$0xF10];
	_ =	sdelay $0x2  }
0xdc: {  	v3 =	vpop (erf)  }
0xdd: {  	v1 =	vmul.f32 v3, v1;
	v3 =	vpop (erf)  }
0xde: {  	s14 =	sadd.s32 $0x1, s14;
	v2 =	vmul.f32 v3, v2  }
0xdf: {  	p0 =	sne.s32 s14, s7;
	[tilespmem:$0xE80] =	vst v1  }
.Ltmp2:
0xe0: {  	[tilespmem:$0xE90] =	vst v2;
	(pc) =	sbr.rel @p0 .LBB2_1-.Ltmp2, $4  }
0xe1: {  	[hbm4b:s6+s4] =	stream.linear.scatter [tilespmem:s13], [sflag:$0x1], $0x20, $0x38;
	[tilespmem:$0x1000] =	vst v63  }
0xe2: {  	_ =	swait.ge [sflag:s10], $0x20  }
0xe3: {  	[sflag:s10] =	ssyncset.done $0x0  }
0xe4: {  	[sflag:s10] =	ssyncadd.s32 $0xFFFFFFE0  }
0xe5: {  	_ =	sfence.sel $0x180000  }
0xe6: {  	[bflag:$0x0] =	sbarrier.arrive $0xFFFF  }
0xe7: {  	p0 =	sne.s32 s1, $0x0;
	_ =	strace $0x90000047  }
0xe8: {  	s0 =	sadd.s32 @!p0 $0x100000, s0;
	[bflag:$0x2] =	sbarrier.arrive $0xFFFF  }
0xe9: {  	[sflag:s0] =	ssyncadd.tile.s32 @!p0 $0x1;
	_ =	shalt  }
.Lfunc_end2:
_tile_overlayer_lowered:
.L_overlay_start_2:
0xea: {  	(tag) =	ssettag $0x2  }
0xeb: {  	s0 =	rddreg [dreg:$0x0];
	s2 =	stileid.u32  }
0xec: {  	s1 =	rddreg [dreg:$0x1];
	p0 =	sne.s32 s2, $0x0  }
0xed: {  	s3 =	rddreg [dreg:$0x2];
	[bflag:$0x3] =	sbarrier.arrive $0xFFFF;
	s2 =	simm.s32 @!p0 $0x1C01  }
0xee: {  	[timem:s3], [sflag:s2] =	dma.local @!p0 [hbm:s0], s1  }
0xef: {  	s0 =	simm.s32 @!p0 $0x1  }
0xf0: {  	_ =	swait.ge @!p0 [sflag:s0], s1  }
0xf1: {  	s1 =	ssub.s32 @!p0 $0x0, s1;
	[sflag:s0] =	ssyncset.done @!p0 $0x0  }
0xf2: {  	[sflag:s0] =	ssyncadd.s32 @!p0 s1  }
0xf3: {  	[bflag:$0x3] =	sbarrier.arrive $0xFFFF  }
0xf4: {  	_ =	shalt  }

</sc_bundles>
